<compile_context>
chip_gen: v7x
topology: tpu7x:2x2x1
jax: 0.10.2.dev20260603
libtpu: 0.0.44.dev20260713+nightly
codegen_flags: <defaults>
</compile_context>

<pallas_src>
import jax
import jax.numpy as jnp
from jax import lax
from jax.experimental import pallas as pl
from jax.experimental.pallas import tpu as pltpu
from jax.experimental.pallas import tpu_sc as plsc

VOCAB = 1000100
DIM = 64
LANES = 16
NUM_CORES = 2
NUM_SUBCORES = 16
NW = NUM_CORES * NUM_SUBCORES

NBUF = 4
LAG = 2


def _body(ids_hbm, w_hbm, out_hbm, idx_v, rows, gsems, osems,
          *, rows_per_w, hist):
    rows = list(rows)
    gsems = list(gsems)
    osems = list(osems)
    wid = lax.axis_index("s") * NUM_CORES + lax.axis_index("c")
    base = wid * rows_per_w

    pltpu.sync_copy(ids_hbm.at[pl.ds(base, rows_per_w)], idx_v)

    offs = list(range(0, hist - LANES + 1, LANES))
    if offs[-1] + LANES < hist:
        offs.append(hist - LANES)

    def clamp_row(r, _):
        for o in offs:
            sl = pl.ds(o, LANES)
            idx_v[r, sl] = jnp.minimum(idx_v[r, sl], VOCAB - 1)
        return 0

    lax.fori_loop(0, rows_per_w, clamp_row, 0, unroll=False)

    split = 128
    rest = hist - split

    def start_gather(r, b):
        pltpu.async_copy(w_hbm.at[idx_v.at[r, pl.ds(0, split)]],
                         rows[b].at[pl.ds(0, split)], gsems[b])
        pltpu.async_copy(w_hbm.at[idx_v.at[r, pl.ds(split, rest)]],
                         rows[b].at[pl.ds(split, rest)], gsems[b])

    def wait_gather(b):
        pltpu.make_async_copy(out_hbm.at[0], rows[b], gsems[b]).wait()

    def start_out(r, b):
        pltpu.async_copy(rows[b], out_hbm.at[base + r], osems[b])

    def wait_out(b):
        pltpu.make_async_copy(rows[b], out_hbm.at[0], osems[b]).wait()

    n_groups = (rows_per_w + LAG) // NBUF + 1

    def group(g, _):
        for b in range(NBUF):
            r = g * NBUF + b

            @pl.when(r < rows_per_w)
            def _gather():
                @pl.when(r >= NBUF)
                def _drain():
                    wait_out(b)

                start_gather(r, b)

            j = r - LAG
            bj = (b + NBUF - LAG) % NBUF

            @pl.when(jnp.logical_and(j >= 0, j < rows_per_w))
            def _out():
                wait_gather(bj)
                start_out(j, bj)

        return 0

    lax.fori_loop(0, n_groups, group, 0, unroll=False)

    for b in range(NBUF):
        wait_out(b)


def kernel(input_ids, weight):
    batch, hist = input_ids.shape
    assert batch % NW == 0
    rows_per_w = batch // NW

    ids = input_ids.astype(jnp.int32)

    mesh = plsc.VectorSubcoreMesh(
        core_axis_name="c", subcore_axis_name="s",
        num_cores=NUM_CORES, num_subcores=NUM_SUBCORES)

    scratch = (
        [pltpu.VMEM((rows_per_w, hist), jnp.int32)]
        + [pltpu.VMEM((hist, DIM), jnp.float32) for _ in range(NBUF)]
        + [pltpu.SemaphoreType.DMA for _ in range(2 * NBUF)]
    )

    def body(ids_hbm, w_hbm, out_hbm, *scr):
        _body(ids_hbm, w_hbm, out_hbm,
              scr[0], scr[1:1 + NBUF], scr[1 + NBUF:1 + 2 * NBUF],
              scr[1 + 2 * NBUF:], rows_per_w=rows_per_w, hist=hist)

    return pl.kernel(
        body,
        out_type=jax.ShapeDtypeStruct((batch, hist, DIM), jnp.float32),
        mesh=mesh,
        scratch_types=scratch,
        compiler_params=pltpu.CompilerParams(use_tc_tiling_on_sc=False),
    )(ids, weight)

# --- scband reference (transcript-rebuilt; emitter-appended) ---
"""Pipeline reference for scband-word-embedding-41867341201805 (READ-ONLY COPY).

The authoritative reference and input builder live on the scoring server;
editing this copy changes nothing except your own understanding.
"""

import jax, jax.numpy as jnp
import numpy as np

VOCAB_SIZE = 1000000
EMBED_DIM = 64
PADDING_IDX = 0
ACTUAL_VOCAB_SIZE = VOCAB_SIZE + 100
BATCH = 4096
HIST_LEN = 200


def setup_inputs(seed: int = 0) -> dict:
    key = jax.random.key(seed)
    k_idx, k_w = jax.random.split(key)
    input_ids = jax.random.randint(k_idx, (BATCH, HIST_LEN), 0, ACTUAL_VOCAB_SIZE, dtype=jnp.int64 if jax.config.jax_enable_x64 else jnp.int32)
    # Xavier-uniform init of the embedding table, padding row zeroed
    limit = float(np.sqrt(6.0 / (ACTUAL_VOCAB_SIZE + EMBED_DIM)))
    weight = jax.random.uniform(k_w, (ACTUAL_VOCAB_SIZE, EMBED_DIM), minval=-limit, maxval=limit, dtype=jnp.float32)
    weight = weight.at[PADDING_IDX].set(0.0)
    return {"input_ids": input_ids, "weight": weight}


def reference(input_ids, weight):
    # torch.clamp(input_ids, max=actual_vocab_size - 1)
    clamped = jnp.minimum(input_ids, ACTUAL_VOCAB_SIZE - 1)
    # nn.Embedding lookup -> gather rows
    out = jnp.take(weight, clamped, axis=0)
    return out

if __name__ == "__main__":
    import jax
    _d = setup_inputs()
    print(jax.jit(kernel)(*tuple(_d.values())))

</pallas_src>

<mosaic_0001>
#map = affine_map<(d0, d1) -> (0, 0)>
#map1 = affine_map<(d0, d1) -> (0, 0, 0)>
module attributes {stable_mosaic.version = 14 : i64} {
  func.func @body(%arg0: i32, %arg1: i32, %arg2: memref<4096x200xi32, #tpu.memory_space<hbm>>, %arg3: memref<1000100x64xf32, #tpu.memory_space<hbm>>, %arg4: memref<4096x200x64xf32, #tpu.memory_space<hbm>>, %arg5: memref<128x200xi32, #tpu.memory_space<vmem>>, %arg6: memref<200x64xf32, #tpu.memory_space<vmem>>, %arg7: memref<200x64xf32, #tpu.memory_space<vmem>>, %arg8: memref<200x64xf32, #tpu.memory_space<vmem>>, %arg9: memref<200x64xf32, #tpu.memory_space<vmem>>, %arg10: memref<!tpu.dma_semaphore, #tpu.memory_space<semaphore_mem>>, %arg11: memref<!tpu.dma_semaphore, #tpu.memory_space<semaphore_mem>>, %arg12: memref<!tpu.dma_semaphore, #tpu.memory_space<semaphore_mem>>, %arg13: memref<!tpu.dma_semaphore, #tpu.memory_space<semaphore_mem>>, %arg14: memref<!tpu.dma_semaphore, #tpu.memory_space<semaphore_mem>>, %arg15: memref<!tpu.dma_semaphore, #tpu.memory_space<semaphore_mem>>, %arg16: memref<!tpu.dma_semaphore, #tpu.memory_space<semaphore_mem>>, %arg17: memref<!tpu.dma_semaphore, #tpu.memory_space<semaphore_mem>>) attributes {dimension_semantics = [#tpu.dimension_semantics<core_parallel>, #tpu.dimension_semantics<subcore_parallel>], iteration_bounds = array<i64: 2, 16>, scalar_prefetch = 0 : i64, scratch_operands = 13 : i64, tpu.core_type = #tpu.core_type<sc_vector_subcore>, window_params = [{transform_indices = #map}, {transform_indices = #map}, {transform_indices = #map1}]} {
    %mul3A = arith.constant 2 : i32
    %mul3A_0 = arith.muli %arg1, %mul3A : i32
    %add3A = arith.addi %mul3A_0, %arg0 : i32
    %mul3A_1 = arith.constant 128 : i32
    %mul3A_2 = arith.muli %add3A, %mul3A_1 : i32
    "tpu.region"() ({
      %run_scoped3A = tpu.sem_alloc : memref<!tpu.dma_semaphore, #tpu.memory_space<semaphore_mem>>
      %dma_start3A = arith.constant 0 : i32
      %dma_start3A_51 = tpu.memref_slice %arg2[%mul3A_2, %dma_start3A] : memref<4096x200xi32, #tpu.memory_space<hbm>> -> memref<128x200xi32, #tpu.memory_space<hbm>>
      %dma_start3A_52 = arith.constant 0 : i32
      %dma_start3A_53 = tpu.memref_slice %arg2[%mul3A_2, %dma_start3A_52] : memref<4096x200xi32, #tpu.memory_space<hbm>> -> memref<128x200xi32, #tpu.memory_space<hbm>>
      tpu.enqueue_dma source(%dma_start3A_53 : memref<128x200xi32, #tpu.memory_space<hbm>>) target(%arg5 : memref<128x200xi32, #tpu.memory_space<vmem>>) target_semaphore(%run_scoped3A : memref<!tpu.dma_semaphore, #tpu.memory_space<semaphore_mem>>)
      %dma_wait3A_54 = arith.constant 0 : i32
      %dma_wait3A_55 = tpu.memref_slice %arg2[%mul3A_2, %dma_wait3A_54] : memref<4096x200xi32, #tpu.memory_space<hbm>> -> memref<128x200xi32, #tpu.memory_space<hbm>>
      %dma_wait3A_56 = arith.constant 0 : i32
      %dma_wait3A_57 = tpu.memref_slice %arg2[%mul3A_2, %dma_wait3A_56] : memref<4096x200xi32, #tpu.memory_space<hbm>> -> memref<128x200xi32, #tpu.memory_space<hbm>>
      tpu.wait_dma2 semaphore(%run_scoped3A : memref<!tpu.dma_semaphore, #tpu.memory_space<semaphore_mem>>) src(%dma_wait3A_57 : memref<128x200xi32, #tpu.memory_space<hbm>>) dst(%arg5 : memref<128x200xi32, #tpu.memory_space<vmem>>)
      tpu.yield
    }) : () -> ()
    %scan3A = arith.constant 0 : i32
    %scan3A_3 = arith.constant 0 : i32
    %scan3A_4 = arith.constant 128 : i32
    %scan3A_5 = arith.addi %scan3A_3, %scan3A_4 : i32
    %scan3A_6 = arith.constant 1 : i32
    %scan3A_7 = scf.for %scan3A_51 = %scan3A_3 to %scan3A_5 step %scan3A_6 iter_args(%scan3A_52 = %scan3A) -> (i32)  : i32 {
      %get3A = arith.index_cast %scan3A_51 : i32 to index
      %get3A_53 = arith.constant 0 : index
      %get3A_54 = tpu.vector_load %arg5[%get3A, %get3A_53] {strides = array<i32>} : memref<128x200xi32, #tpu.memory_space<vmem>>, vector<1x16xi32>,
      %get3A_55 = vector.shape_cast %get3A_54 : vector<1x16xi32> to vector<16xi32>
      %min3A = arith.constant 1000099 : i32
      %min3A_56 = vector.broadcast %min3A : i32 to vector<16xi32>
      %min3A_57 = arith.minsi %get3A_55, %min3A_56 : vector<16xi32>
      %swap3A = arith.index_cast %scan3A_51 : i32 to index
      %swap3A_58 = arith.constant 0 : index
      %swap3A_59 = tpu.vector_load %arg5[%swap3A, %swap3A_58] {strides = array<i32>} : memref<128x200xi32, #tpu.memory_space<vmem>>, vector<1x16xi32>,
      %swap3A_60 = vector.shape_cast %swap3A_59 : vector<1x16xi32> to vector<16xi32>
      %swap3A_61 = vector.shape_cast %min3A_57 : vector<16xi32> to vector<1x16xi32>
      tpu.vector_store %arg5[%swap3A, %swap3A_58], %swap3A_61 {strides = array<i32>} : memref<128x200xi32, #tpu.memory_space<vmem>>, vector<1x16xi32>,
      %get3A_62 = arith.index_cast %scan3A_51 : i32 to index
      %get3A_63 = arith.constant 16 : index
      %get3A_64 = tpu.vector_load %arg5[%get3A_62, %get3A_63] {strides = array<i32>} : memref<128x200xi32, #tpu.memory_space<vmem>>, vector<1x16xi32>,
      %get3A_65 = vector.shape_cast %get3A_64 : vector<1x16xi32> to vector<16xi32>
      %min3A_66 = arith.constant 1000099 : i32
      %min3A_67 = vector.broadcast %min3A_66 : i32 to vector<16xi32>
      %min3A_68 = arith.minsi %get3A_65, %min3A_67 : vector<16xi32>
      %swap3A_69 = arith.index_cast %scan3A_51 : i32 to index
      %swap3A_70 = arith.constant 16 : index
      %swap3A_71 = tpu.vector_load %arg5[%swap3A_69, %swap3A_70] {strides = array<i32>} : memref<128x200xi32, #tpu.memory_space<vmem>>, vector<1x16xi32>,
      %swap3A_72 = vector.shape_cast %swap3A_71 : vector<1x16xi32> to vector<16xi32>
      %swap3A_73 = vector.shape_cast %min3A_68 : vector<16xi32> to vector<1x16xi32>
      tpu.vector_store %arg5[%swap3A_69, %swap3A_70], %swap3A_73 {strides = array<i32>} : memref<128x200xi32, #tpu.memory_space<vmem>>, vector<1x16xi32>,
      %get3A_74 = arith.index_cast %scan3A_51 : i32 to index
      %get3A_75 = arith.constant 32 : index
      %get3A_76 = tpu.vector_load %arg5[%get3A_74, %get3A_75] {strides = array<i32>} : memref<128x200xi32, #tpu.memory_space<vmem>>, vector<1x16xi32>,
      %get3A_77 = vector.shape_cast %get3A_76 : vector<1x16xi32> to vector<16xi32>
      %min3A_78 = arith.constant 1000099 : i32
      %min3A_79 = vector.broadcast %min3A_78 : i32 to vector<16xi32>
      %min3A_80 = arith.minsi %get3A_77, %min3A_79 : vector<16xi32>
      %swap3A_81 = arith.index_cast %scan3A_51 : i32 to index
      %swap3A_82 = arith.constant 32 : index
      %swap3A_83 = tpu.vector_load %arg5[%swap3A_81, %swap3A_82] {strides = array<i32>} : memref<128x200xi32, #tpu.memory_space<vmem>>, vector<1x16xi32>,
      %swap3A_84 = vector.shape_cast %swap3A_83 : vector<1x16xi32> to vector<16xi32>
      %swap3A_85 = vector.shape_cast %min3A_80 : vector<16xi32> to vector<1x16xi32>
      tpu.vector_store %arg5[%swap3A_81, %swap3A_82], %swap3A_85 {strides = array<i32>} : memref<128x200xi32, #tpu.memory_space<vmem>>, vector<1x16xi32>,
      %get3A_86 = arith.index_cast %scan3A_51 : i32 to index
      %get3A_87 = arith.constant 48 : index
      %get3A_88 = tpu.vector_load %arg5[%get3A_86, %get3A_87] {strides = array<i32>} : memref<128x200xi32, #tpu.memory_space<vmem>>, vector<1x16xi32>,
      %get3A_89 = vector.shape_cast %get3A_88 : vector<1x16xi32> to vector<16xi32>
      %min3A_90 = arith.constant 1000099 : i32
      %min3A_91 = vector.broadcast %min3A_90 : i32 to vector<16xi32>
      %min3A_92 = arith.minsi %get3A_89, %min3A_91 : vector<16xi32>
      %swap3A_93 = arith.index_cast %scan3A_51 : i32 to index
      %swap3A_94 = arith.constant 48 : index
      %swap3A_95 = tpu.vector_load %arg5[%swap3A_93, %swap3A_94] {strides = array<i32>} : memref<128x200xi32, #tpu.memory_space<vmem>>, vector<1x16xi32>,
      %swap3A_96 = vector.shape_cast %swap3A_95 : vector<1x16xi32> to vector<16xi32>
      %swap3A_97 = vector.shape_cast %min3A_92 : vector<16xi32> to vector<1x16xi32>
      tpu.vector_store %arg5[%swap3A_93, %swap3A_94], %swap3A_97 {strides = array<i32>} : memref<128x200xi32, #tpu.memory_space<vmem>>, vector<1x16xi32>,
      %get3A_98 = arith.index_cast %scan3A_51 : i32 to index
      %get3A_99 = arith.constant 64 : index
      %get3A_100 = tpu.vector_load %arg5[%get3A_98, %get3A_99] {strides = array<i32>} : memref<128x200xi32, #tpu.memory_space<vmem>>, vector<1x16xi32>,
      %get3A_101 = vector.shape_cast %get3A_100 : vector<1x16xi32> to vector<16xi32>
      %min3A_102 = arith.constant 1000099 : i32
      %min3A_103 = vector.broadcast %min3A_102 : i32 to vector<16xi32>
      %min3A_104 = arith.minsi %get3A_101, %min3A_103 : vector<16xi32>
      %swap3A_105 = arith.index_cast %scan3A_51 : i32 to index
      %swap3A_106 = arith.constant 64 : index
      %swap3A_107 = tpu.vector_load %arg5[%swap3A_105, %swap3A_106] {strides = array<i32>} : memref<128x200xi32, #tpu.memory_space<vmem>>, vector<1x16xi32>,
      %swap3A_108 = vector.shape_cast %swap3A_107 : vector<1x16xi32> to vector<16xi32>
      %swap3A_109 = vector.shape_cast %min3A_104 : vector<16xi32> to vector<1x16xi32>
      tpu.vector_store %arg5[%swap3A_105, %swap3A_106], %swap3A_109 {strides = array<i32>} : memref<128x200xi32, #tpu.memory_space<vmem>>, vector<1x16xi32>,
      %get3A_110 = arith.index_cast %scan3A_51 : i32 to index
      %get3A_111 = arith.constant 80 : index
      %get3A_112 = tpu.vector_load %arg5[%get3A_110, %get3A_111] {strides = array<i32>} : memref<128x200xi32, #tpu.memory_space<vmem>>, vector<1x16xi32>,
      %get3A_113 = vector.shape_cast %get3A_112 : vector<1x16xi32> to vector<16xi32>
      %min3A_114 = arith.constant 1000099 : i32
      %min3A_115 = vector.broadcast %min3A_114 : i32 to vector<16xi32>
      %min3A_116 = arith.minsi %get3A_113, %min3A_115 : vector<16xi32>
      %swap3A_117 = arith.index_cast %scan3A_51 : i32 to index
      %swap3A_118 = arith.constant 80 : index
      %swap3A_119 = tpu.vector_load %arg5[%swap3A_117, %swap3A_118] {strides = array<i32>} : memref<128x200xi32, #tpu.memory_space<vmem>>, vector<1x16xi32>,
      %swap3A_120 = vector.shape_cast %swap3A_119 : vector<1x16xi32> to vector<16xi32>
      %swap3A_121 = vector.shape_cast %min3A_116 : vector<16xi32> to vector<1x16xi32>
      tpu.vector_store %arg5[%swap3A_117, %swap3A_118], %swap3A_121 {strides = array<i32>} : memref<128x200xi32, #tpu.memory_space<vmem>>, vector<1x16xi32>,
      %get3A_122 = arith.index_cast %scan3A_51 : i32 to index
      %get3A_123 = arith.constant 96 : index
      %get3A_124 = tpu.vector_load %arg5[%get3A_122, %get3A_123] {strides = array<i32>} : memref<128x200xi32, #tpu.memory_space<vmem>>, vector<1x16xi32>,
      %get3A_125 = vector.shape_cast %get3A_124 : vector<1x16xi32> to vector<16xi32>
      %min3A_126 = arith.constant 1000099 : i32
      %min3A_127 = vector.broadcast %min3A_126 : i32 to vector<16xi32>
      %min3A_128 = arith.minsi %get3A_125, %min3A_127 : vector<16xi32>
      %swap3A_129 = arith.index_cast %scan3A_51 : i32 to index
      %swap3A_130 = arith.constant 96 : index
      %swap3A_131 = tpu.vector_load %arg5[%swap3A_129, %swap3A_130] {strides = array<i32>} : memref<128x200xi32, #tpu.memory_space<vmem>>, vector<1x16xi32>,
      %swap3A_132 = vector.shape_cast %swap3A_131 : vector<1x16xi32> to vector<16xi32>
      %swap3A_133 = vector.shape_cast %min3A_128 : vector<16xi32> to vector<1x16xi32>
      tpu.vector_store %arg5[%swap3A_129, %swap3A_130], %swap3A_133 {strides = array<i32>} : memref<128x200xi32, #tpu.memory_space<vmem>>, vector<1x16xi32>,
      %get3A_134 = arith.index_cast %scan3A_51 : i32 to index
      %get3A_135 = arith.constant 112 : index
      %get3A_136 = tpu.vector_load %arg5[%get3A_134, %get3A_135] {strides = array<i32>} : memref<128x200xi32, #tpu.memory_space<vmem>>, vector<1x16xi32>,
      %get3A_137 = vector.shape_cast %get3A_136 : vector<1x16xi32> to vector<16xi32>
      %min3A_138 = arith.constant 1000099 : i32
      %min3A_139 = vector.broadcast %min3A_138 : i32 to vector<16xi32>
      %min3A_140 = arith.minsi %get3A_137, %min3A_139 : vector<16xi32>
      %swap3A_141 = arith.index_cast %scan3A_51 : i32 to index
      %swap3A_142 = arith.constant 112 : index
      %swap3A_143 = tpu.vector_load %arg5[%swap3A_141, %swap3A_142] {strides = array<i32>} : memref<128x200xi32, #tpu.memory_space<vmem>>, vector<1x16xi32>,
      %swap3A_144 = vector.shape_cast %swap3A_143 : vector<1x16xi32> to vector<16xi32>
      %swap3A_145 = vector.shape_cast %min3A_140 : vector<16xi32> to vector<1x16xi32>
      tpu.vector_store %arg5[%swap3A_141, %swap3A_142], %swap3A_145 {strides = array<i32>} : memref<128x200xi32, #tpu.memory_space<vmem>>, vector<1x16xi32>,
      %get3A_146 = arith.index_cast %scan3A_51 : i32 to index
      %get3A_147 = arith.constant 128 : index
      %get3A_148 = tpu.vector_load %arg5[%get3A_146, %get3A_147] {strides = array<i32>} : memref<128x200xi32, #tpu.memory_space<vmem>>, vector<1x16xi32>,
      %get3A_149 = vector.shape_cast %get3A_148 : vector<1x16xi32> to vector<16xi32>
      %min3A_150 = arith.constant 1000099 : i32
      %min3A_151 = vector.broadcast %min3A_150 : i32 to vector<16xi32>
      %min3A_152 = arith.minsi %get3A_149, %min3A_151 : vector<16xi32>
      %swap3A_153 = arith.index_cast %scan3A_51 : i32 to index
      %swap3A_154 = arith.constant 128 : index
      %swap3A_155 = tpu.vector_load %arg5[%swap3A_153, %swap3A_154] {strides = array<i32>} : memref<128x200xi32, #tpu.memory_space<vmem>>, vector<1x16xi32>,
      %swap3A_156 = vector.shape_cast %swap3A_155 : vector<1x16xi32> to vector<16xi32>
      %swap3A_157 = vector.shape_cast %min3A_152 : vector<16xi32> to vector<1x16xi32>
      tpu.vector_store %arg5[%swap3A_153, %swap3A_154], %swap3A_157 {strides = array<i32>} : memref<128x200xi32, #tpu.memory_space<vmem>>, vector<1x16xi32>,
      %get3A_158 = arith.index_cast %scan3A_51 : i32 to index
      %get3A_159 = arith.constant 144 : index
      %get3A_160 = tpu.vector_load %arg5[%get3A_158, %get3A_159] {strides = array<i32>} : memref<128x200xi32, #tpu.memory_space<vmem>>, vector<1x16xi32>,
      %get3A_161 = vector.shape_cast %get3A_160 : vector<1x16xi32> to vector<16xi32>
      %min3A_162 = arith.constant 1000099 : i32
      %min3A_163 = vector.broadcast %min3A_162 : i32 to vector<16xi32>
      %min3A_164 = arith.minsi %get3A_161, %min3A_163 : vector<16xi32>
      %swap3A_165 = arith.index_cast %scan3A_51 : i32 to index
      %swap3A_166 = arith.constant 144 : index
      %swap3A_167 = tpu.vector_load %arg5[%swap3A_165, %swap3A_166] {strides = array<i32>} : memref<128x200xi32, #tpu.memory_space<vmem>>, vector<1x16xi32>,
      %swap3A_168 = vector.shape_cast %swap3A_167 : vector<1x16xi32> to vector<16xi32>
      %swap3A_169 = vector.shape_cast %min3A_164 : vector<16xi32> to vector<1x16xi32>
      tpu.vector_store %arg5[%swap3A_165, %swap3A_166], %swap3A_169 {strides = array<i32>} : memref<128x200xi32, #tpu.memory_space<vmem>>, vector<1x16xi32>,
      %get3A_170 = arith.index_cast %scan3A_51 : i32 to index
      %get3A_171 = arith.constant 160 : index
      %get3A_172 = tpu.vector_load %arg5[%get3A_170, %get3A_171] {strides = array<i32>} : memref<128x200xi32, #tpu.memory_space<vmem>>, vector<1x16xi32>,
      %get3A_173 = vector.shape_cast %get3A_172 : vector<1x16xi32> to vector<16xi32>
      %min3A_174 = arith.constant 1000099 : i32
      %min3A_175 = vector.broadcast %min3A_174 : i32 to vector<16xi32>
      %min3A_176 = arith.minsi %get3A_173, %min3A_175 : vector<16xi32>
      %swap3A_177 = arith.index_cast %scan3A_51 : i32 to index
      %swap3A_178 = arith.constant 160 : index
      %swap3A_179 = tpu.vector_load %arg5[%swap3A_177, %swap3A_178] {strides = array<i32>} : memref<128x200xi32, #tpu.memory_space<vmem>>, vector<1x16xi32>,
      %swap3A_180 = vector.shape_cast %swap3A_179 : vector<1x16xi32> to vector<16xi32>
      %swap3A_181 = vector.shape_cast %min3A_176 : vector<16xi32> to vector<1x16xi32>
      tpu.vector_store %arg5[%swap3A_177, %swap3A_178], %swap3A_181 {strides = array<i32>} : memref<128x200xi32, #tpu.memory_space<vmem>>, vector<1x16xi32>,
      %get3A_182 = arith.index_cast %scan3A_51 : i32 to index
      %get3A_183 = arith.constant 176 : index
      %get3A_184 = tpu.vector_load %arg5[%get3A_182, %get3A_183] {strides = array<i32>} : memref<128x200xi32, #tpu.memory_space<vmem>>, vector<1x16xi32>,
      %get3A_185 = vector.shape_cast %get3A_184 : vector<1x16xi32> to vector<16xi32>
      %min3A_186 = arith.constant 1000099 : i32
      %min3A_187 = vector.broadcast %min3A_186 : i32 to vector<16xi32>
      %min3A_188 = arith.minsi %get3A_185, %min3A_187 : vector<16xi32>
      %swap3A_189 = arith.index_cast %scan3A_51 : i32 to index
      %swap3A_190 = arith.constant 176 : index
      %swap3A_191 = tpu.vector_load %arg5[%swap3A_189, %swap3A_190] {strides = array<i32>} : memref<128x200xi32, #tpu.memory_space<vmem>>, vector<1x16xi32>,
      %swap3A_192 = vector.shape_cast %swap3A_191 : vector<1x16xi32> to vector<16xi32>
      %swap3A_193 = vector.shape_cast %min3A_188 : vector<16xi32> to vector<1x16xi32>
      tpu.vector_store %arg5[%swap3A_189, %swap3A_190], %swap3A_193 {strides = array<i32>} : memref<128x200xi32, #tpu.memory_space<vmem>>, vector<1x16xi32>,
      %get3A_194 = arith.index_cast %scan3A_51 : i32 to index
      %get3A_195 = arith.constant 184 : index
      %get3A_196 = tpu.vector_load %arg5[%get3A_194, %get3A_195] {strides = array<i32>} : memref<128x200xi32, #tpu.memory_space<vmem>>, vector<1x16xi32>,
      %get3A_197 = vector.shape_cast %get3A_196 : vector<1x16xi32> to vector<16xi32>
      %min3A_198 = arith.constant 1000099 : i32
      %min3A_199 = vector.broadcast %min3A_198 : i32 to vector<16xi32>
      %min3A_200 = arith.minsi %get3A_197, %min3A_199 : vector<16xi32>
      %swap3A_201 = arith.index_cast %scan3A_51 : i32 to index
      %swap3A_202 = arith.constant 184 : index
      %swap3A_203 = tpu.vector_load %arg5[%swap3A_201, %swap3A_202] {strides = array<i32>} : memref<128x200xi32, #tpu.memory_space<vmem>>, vector<1x16xi32>,
      %swap3A_204 = vector.shape_cast %swap3A_203 : vector<1x16xi32> to vector<16xi32>
      %swap3A_205 = vector.shape_cast %min3A_200 : vector<16xi32> to vector<1x16xi32>
      tpu.vector_store %arg5[%swap3A_201, %swap3A_202], %swap3A_205 {strides = array<i32>} : memref<128x200xi32, #tpu.memory_space<vmem>>, vector<1x16xi32>,
      %scan3A_206 = arith.constant 0 : i32
      scf.yield %scan3A_206 : i32
    }
    %scan3A_8 = arith.constant 128 : i32
    %scan3A_9 = arith.constant 0 : i32
    %scan3A_10 = arith.constant 0 : i32
    %scan3A_11 = arith.constant 33 : i32
    %scan3A_12 = arith.addi %scan3A_10, %scan3A_11 : i32
    %scan3A_13 = arith.constant 1 : i32
    %scan3A_14 = scf.for %scan3A_51 = %scan3A_10 to %scan3A_12 step %scan3A_13 iter_args(%scan3A_52 = %scan3A_9) -> (i32)  : i32 {
      %mul3A_53 = arith.constant 4 : i32
      %mul3A_54 = arith.muli %scan3A_51, %mul3A_53 : i32
      %add3A_55 = arith.constant 0 : i32
      %add3A_56 = arith.addi %mul3A_54, %add3A_55 : i32
      %lt3A = arith.constant 128 : i32
      %lt3A_57 = arith.cmpi slt, %add3A_56, %lt3A : i32
      %convert_element_type3A = arith.extui %lt3A_57 : i1 to i32
      %cond3A = arith.constant 0 : i32
      %cond3A_58 = arith.cmpi ne, %convert_element_type3A, %cond3A : i32
      scf.if %cond3A_58 {
        %ge3A_124 = arith.constant 4 : i32
        %ge3A_125 = arith.cmpi sge, %add3A_56, %ge3A_124 : i32
        %convert_element_type3A_126 = arith.extui %ge3A_125 : i1 to i32
        %cond3A_127 = arith.constant 0 : i32
        %cond3A_128 = arith.cmpi ne, %convert_element_type3A_126, %cond3A_127 : i32
        scf.if %cond3A_128 {
          %dma_wait3A_146 = arith.constant 0 : i32
          %dma_wait3A_147 = arith.constant 0 : i32
          %dma_wait3A_148 = arith.constant 0 : i32
          %dma_wait3A_149 = tpu.memref_slice %arg4[%dma_wait3A_146, %dma_wait3A_147, %dma_wait3A_148] : memref<4096x200x64xf32, #tpu.memory_space<hbm>> -> memref<1x200x64xf32, #tpu.memory_space<hbm>>
          %dma_wait3A_150 = tpu.memref_squeeze %dma_wait3A_149 : memref<1x200x64xf32, #tpu.memory_space<hbm>> -> memref<200x64xf32, #tpu.memory_space<hbm>>
          %dma_wait3A_151 = arith.constant 0 : i32
          %dma_wait3A_152 = arith.constant 0 : i32
          %dma_wait3A_153 = tpu.memref_slice %arg4[%dma_wait3A_146, %dma_wait3A_151, %dma_wait3A_152] : memref<4096x200x64xf32, #tpu.memory_space<hbm>> -> memref<1x200x64xf32, #tpu.memory_space<hbm>>
          %dma_wait3A_154 = tpu.memref_squeeze %dma_wait3A_153 : memref<1x200x64xf32, #tpu.memory_space<hbm>> -> memref<200x64xf32, #tpu.memory_space<hbm>>
          tpu.wait_dma2 semaphore(%arg14 : memref<!tpu.dma_semaphore, #tpu.memory_space<semaphore_mem>>) src(%arg6 : memref<200x64xf32, #tpu.memory_space<vmem>>) dst(%dma_wait3A_154 : memref<200x64xf32, #tpu.memory_space<hbm>>)
        } else {
        }
        %dma_start3A = arith.constant 0 : i32
        %dma_start3A_129 = arith.constant 0 : i32
        %dma_start3A_130 = tpu.memref_slice %arg6[%dma_start3A, %dma_start3A_129] : memref<200x64xf32, #tpu.memory_space<vmem>> -> memref<128x64xf32, #tpu.memory_space<vmem>>
        %dma_start3A_131 = arith.constant 0 : i32
        %dma_start3A_132 = tpu.memref_slice %arg5[%add3A_56, %dma_start3A_131] : memref<128x200xi32, #tpu.memory_space<vmem>> -> memref<1x128xi32, #tpu.memory_space<vmem>>
        %dma_start3A_133 = tpu.memref_squeeze %dma_start3A_132 : memref<1x128xi32, #tpu.memory_space<vmem>> -> memref<128xi32, #tpu.memory_space<vmem>>
        %dma_start3A_134 = arith.constant 0 : i32
        %dma_start3A_135 = arith.constant 0 : i32
        %dma_start3A_136 = tpu.memref_slice %arg3[%dma_start3A_134, %dma_start3A_135] : memref<1000100x64xf32, #tpu.memory_space<hbm>> -> memref<1000100x64xf32, #tpu.memory_space<hbm>>
        tpu.enqueue_indirect_dma source(%dma_start3A_136 : memref<1000100x64xf32, #tpu.memory_space<hbm>>) target(%dma_start3A_130 : memref<128x64xf32, #tpu.memory_space<vmem>>) offsets(%dma_start3A_133 : memref<128xi32, #tpu.memory_space<vmem>>) semaphore(%arg10 : memref<!tpu.dma_semaphore, #tpu.memory_space<semaphore_mem>>)
        %dma_start3A_137 = arith.constant 128 : i32
        %dma_start3A_138 = arith.constant 0 : i32
        %dma_start3A_139 = tpu.memref_slice %arg6[%dma_start3A_137, %dma_start3A_138] : memref<200x64xf32, #tpu.memory_space<vmem>> -> memref<72x64xf32, #tpu.memory_space<vmem>>
        %dma_start3A_140 = arith.constant 128 : i32
        %dma_start3A_141 = tpu.memref_slice %arg5[%add3A_56, %dma_start3A_140] : memref<128x200xi32, #tpu.memory_space<vmem>> -> memref<1x72xi32, #tpu.memory_space<vmem>>
        %dma_start3A_142 = tpu.memref_squeeze %dma_start3A_141 : memref<1x72xi32, #tpu.memory_space<vmem>> -> memref<72xi32, #tpu.memory_space<vmem>>
        %dma_start3A_143 = arith.constant 0 : i32
        %dma_start3A_144 = arith.constant 0 : i32
        %dma_start3A_145 = tpu.memref_slice %arg3[%dma_start3A_143, %dma_start3A_144] : memref<1000100x64xf32, #tpu.memory_space<hbm>> -> memref<1000100x64xf32, #tpu.memory_space<hbm>>
        tpu.enqueue_indirect_dma source(%dma_start3A_145 : memref<1000100x64xf32, #tpu.memory_space<hbm>>) target(%dma_start3A_139 : memref<72x64xf32, #tpu.memory_space<vmem>>) offsets(%dma_start3A_142 : memref<72xi32, #tpu.memory_space<vmem>>) semaphore(%arg10 : memref<!tpu.dma_semaphore, #tpu.memory_space<semaphore_mem>>)
      } else {
      }
      %sub3A = arith.constant 2 : i32
      %sub3A_59 = arith.subi %add3A_56, %sub3A : i32
      %ge3A = arith.constant 0 : i32
      %ge3A_60 = arith.cmpi sge, %sub3A_59, %ge3A : i32
      %lt3A_61 = arith.constant 128 : i32
      %lt3A_62 = arith.cmpi slt, %sub3A_59, %lt3A_61 : i32
      %and3A = arith.andi %ge3A_60, %lt3A_62 : i1
      %convert_element_type3A_63 = arith.extui %and3A : i1 to i32
      %cond3A_64 = arith.constant 0 : i32
      %cond3A_65 = arith.cmpi ne, %convert_element_type3A_63, %cond3A_64 : i32
      scf.if %cond3A_65 {
        %dma_wait3A_124 = arith.constant 0 : i32
        %dma_wait3A_125 = arith.constant 0 : i32
        %dma_wait3A_126 = arith.constant 0 : i32
        %dma_wait3A_127 = tpu.memref_slice %arg4[%dma_wait3A_124, %dma_wait3A_125, %dma_wait3A_126] : memref<4096x200x64xf32, #tpu.memory_space<hbm>> -> memref<1x200x64xf32, #tpu.memory_space<hbm>>
        %dma_wait3A_128 = tpu.memref_squeeze %dma_wait3A_127 : memref<1x200x64xf32, #tpu.memory_space<hbm>> -> memref<200x64xf32, #tpu.memory_space<hbm>>
        %dma_wait3A_129 = arith.constant 0 : i32
        %dma_wait3A_130 = arith.constant 0 : i32
        %dma_wait3A_131 = tpu.memref_slice %arg4[%dma_wait3A_124, %dma_wait3A_129, %dma_wait3A_130] : memref<4096x200x64xf32, #tpu.memory_space<hbm>> -> memref<1x200x64xf32, #tpu.memory_space<hbm>>
        %dma_wait3A_132 = tpu.memref_squeeze %dma_wait3A_131 : memref<1x200x64xf32, #tpu.memory_space<hbm>> -> memref<200x64xf32, #tpu.memory_space<hbm>>
        tpu.wait_dma2 semaphore(%arg12 : memref<!tpu.dma_semaphore, #tpu.memory_space<semaphore_mem>>) src(%dma_wait3A_132 : memref<200x64xf32, #tpu.memory_space<hbm>>) dst(%arg8 : memref<200x64xf32, #tpu.memory_space<vmem>>)
        %add3A_133 = arith.addi %mul3A_2, %sub3A_59 : i32
        %dma_start3A = arith.constant 0 : i32
        %dma_start3A_134 = arith.constant 0 : i32
        %dma_start3A_135 = tpu.memref_slice %arg4[%add3A_133, %dma_start3A, %dma_start3A_134] : memref<4096x200x64xf32, #tpu.memory_space<hbm>> -> memref<1x200x64xf32, #tpu.memory_space<hbm>>
        %dma_start3A_136 = tpu.memref_squeeze %dma_start3A_135 : memref<1x200x64xf32, #tpu.memory_space<hbm>> -> memref<200x64xf32, #tpu.memory_space<hbm>>
        %dma_start3A_137 = arith.constant 0 : i32
        %dma_start3A_138 = arith.constant 0 : i32
        %dma_start3A_139 = tpu.memref_slice %arg4[%add3A_133, %dma_start3A_137, %dma_start3A_138] : memref<4096x200x64xf32, #tpu.memory_space<hbm>> -> memref<1x200x64xf32, #tpu.memory_space<hbm>>
        %dma_start3A_140 = tpu.memref_squeeze %dma_start3A_139 : memref<1x200x64xf32, #tpu.memory_space<hbm>> -> memref<200x64xf32, #tpu.memory_space<hbm>>
        tpu.enqueue_dma source(%arg8 : memref<200x64xf32, #tpu.memory_space<vmem>>) target(%dma_start3A_140 : memref<200x64xf32, #tpu.memory_space<hbm>>) target_semaphore(%arg16 : memref<!tpu.dma_semaphore, #tpu.memory_space<semaphore_mem>>)
      } else {
      }
      %mul3A_66 = arith.constant 4 : i32
      %mul3A_67 = arith.muli %scan3A_51, %mul3A_66 : i32
      %add3A_68 = arith.constant 1 : i32
      %add3A_69 = arith.addi %mul3A_67, %add3A_68 : i32
      %lt3A_70 = arith.constant 128 : i32
      %lt3A_71 = arith.cmpi slt, %add3A_69, %lt3A_70 : i32
      %convert_element_type3A_72 = arith.extui %lt3A_71 : i1 to i32
      %cond3A_73 = arith.constant 0 : i32
      %cond3A_74 = arith.cmpi ne, %convert_element_type3A_72, %cond3A_73 : i32
      scf.if %cond3A_74 {
        %ge3A_124 = arith.constant 4 : i32
        %ge3A_125 = arith.cmpi sge, %add3A_69, %ge3A_124 : i32
        %convert_element_type3A_126 = arith.extui %ge3A_125 : i1 to i32
        %cond3A_127 = arith.constant 0 : i32
        %cond3A_128 = arith.cmpi ne, %convert_element_type3A_126, %cond3A_127 : i32
        scf.if %cond3A_128 {
          %dma_wait3A_146 = arith.constant 0 : i32
          %dma_wait3A_147 = arith.constant 0 : i32
          %dma_wait3A_148 = arith.constant 0 : i32
          %dma_wait3A_149 = tpu.memref_slice %arg4[%dma_wait3A_146, %dma_wait3A_147, %dma_wait3A_148] : memref<4096x200x64xf32, #tpu.memory_space<hbm>> -> memref<1x200x64xf32, #tpu.memory_space<hbm>>
          %dma_wait3A_150 = tpu.memref_squeeze %dma_wait3A_149 : memref<1x200x64xf32, #tpu.memory_space<hbm>> -> memref<200x64xf32, #tpu.memory_space<hbm>>
          %dma_wait3A_151 = arith.constant 0 : i32
          %dma_wait3A_152 = arith.constant 0 : i32
          %dma_wait3A_153 = tpu.memref_slice %arg4[%dma_wait3A_146, %dma_wait3A_151, %dma_wait3A_152] : memref<4096x200x64xf32, #tpu.memory_space<hbm>> -> memref<1x200x64xf32, #tpu.memory_space<hbm>>
          %dma_wait3A_154 = tpu.memref_squeeze %dma_wait3A_153 : memref<1x200x64xf32, #tpu.memory_space<hbm>> -> memref<200x64xf32, #tpu.memory_space<hbm>>
          tpu.wait_dma2 semaphore(%arg15 : memref<!tpu.dma_semaphore, #tpu.memory_space<semaphore_mem>>) src(%arg7 : memref<200x64xf32, #tpu.memory_space<vmem>>) dst(%dma_wait3A_154 : memref<200x64xf32, #tpu.memory_space<hbm>>)
        } else {
        }
        %dma_start3A = arith.constant 0 : i32
        %dma_start3A_129 = arith.constant 0 : i32
        %dma_start3A_130 = tpu.memref_slice %arg7[%dma_start3A, %dma_start3A_129] : memref<200x64xf32, #tpu.memory_space<vmem>> -> memref<128x64xf32, #tpu.memory_space<vmem>>
        %dma_start3A_131 = arith.constant 0 : i32
        %dma_start3A_132 = tpu.memref_slice %arg5[%add3A_69, %dma_start3A_131] : memref<128x200xi32, #tpu.memory_space<vmem>> -> memref<1x128xi32, #tpu.memory_space<vmem>>
        %dma_start3A_133 = tpu.memref_squeeze %dma_start3A_132 : memref<1x128xi32, #tpu.memory_space<vmem>> -> memref<128xi32, #tpu.memory_space<vmem>>
        %dma_start3A_134 = arith.constant 0 : i32
        %dma_start3A_135 = arith.constant 0 : i32
        %dma_start3A_136 = tpu.memref_slice %arg3[%dma_start3A_134, %dma_start3A_135] : memref<1000100x64xf32, #tpu.memory_space<hbm>> -> memref<1000100x64xf32, #tpu.memory_space<hbm>>
        tpu.enqueue_indirect_dma source(%dma_start3A_136 : memref<1000100x64xf32, #tpu.memory_space<hbm>>) target(%dma_start3A_130 : memref<128x64xf32, #tpu.memory_space<vmem>>) offsets(%dma_start3A_133 : memref<128xi32, #tpu.memory_space<vmem>>) semaphore(%arg11 : memref<!tpu.dma_semaphore, #tpu.memory_space<semaphore_mem>>)
        %dma_start3A_137 = arith.constant 128 : i32
        %dma_start3A_138 = arith.constant 0 : i32
        %dma_start3A_139 = tpu.memref_slice %arg7[%dma_start3A_137, %dma_start3A_138] : memref<200x64xf32, #tpu.memory_space<vmem>> -> memref<72x64xf32, #tpu.memory_space<vmem>>
        %dma_start3A_140 = arith.constant 128 : i32
        %dma_start3A_141 = tpu.memref_slice %arg5[%add3A_69, %dma_start3A_140] : memref<128x200xi32, #tpu.memory_space<vmem>> -> memref<1x72xi32, #tpu.memory_space<vmem>>
        %dma_start3A_142 = tpu.memref_squeeze %dma_start3A_141 : memref<1x72xi32, #tpu.memory_space<vmem>> -> memref<72xi32, #tpu.memory_space<vmem>>
        %dma_start3A_143 = arith.constant 0 : i32
        %dma_start3A_144 = arith.constant 0 : i32
        %dma_start3A_145 = tpu.memref_slice %arg3[%dma_start3A_143, %dma_start3A_144] : memref<1000100x64xf32, #tpu.memory_space<hbm>> -> memref<1000100x64xf32, #tpu.memory_space<hbm>>
        tpu.enqueue_indirect_dma source(%dma_start3A_145 : memref<1000100x64xf32, #tpu.memory_space<hbm>>) target(%dma_start3A_139 : memref<72x64xf32, #tpu.memory_space<vmem>>) offsets(%dma_start3A_142 : memref<72xi32, #tpu.memory_space<vmem>>) semaphore(%arg11 : memref<!tpu.dma_semaphore, #tpu.memory_space<semaphore_mem>>)
      } else {
      }
      %sub3A_75 = arith.constant 2 : i32
      %sub3A_76 = arith.subi %add3A_69, %sub3A_75 : i32
      %ge3A_77 = arith.constant 0 : i32
      %ge3A_78 = arith.cmpi sge, %sub3A_76, %ge3A_77 : i32
      %lt3A_79 = arith.constant 128 : i32
      %lt3A_80 = arith.cmpi slt, %sub3A_76, %lt3A_79 : i32
      %and3A_81 = arith.andi %ge3A_78, %lt3A_80 : i1
      %convert_element_type3A_82 = arith.extui %and3A_81 : i1 to i32
      %cond3A_83 = arith.constant 0 : i32
      %cond3A_84 = arith.cmpi ne, %convert_element_type3A_82, %cond3A_83 : i32
      scf.if %cond3A_84 {
        %dma_wait3A_124 = arith.constant 0 : i32
        %dma_wait3A_125 = arith.constant 0 : i32
        %dma_wait3A_126 = arith.constant 0 : i32
        %dma_wait3A_127 = tpu.memref_slice %arg4[%dma_wait3A_124, %dma_wait3A_125, %dma_wait3A_126] : memref<4096x200x64xf32, #tpu.memory_space<hbm>> -> memref<1x200x64xf32, #tpu.memory_space<hbm>>
        %dma_wait3A_128 = tpu.memref_squeeze %dma_wait3A_127 : memref<1x200x64xf32, #tpu.memory_space<hbm>> -> memref<200x64xf32, #tpu.memory_space<hbm>>
        %dma_wait3A_129 = arith.constant 0 : i32
        %dma_wait3A_130 = arith.constant 0 : i32
        %dma_wait3A_131 = tpu.memref_slice %arg4[%dma_wait3A_124, %dma_wait3A_129, %dma_wait3A_130] : memref<4096x200x64xf32, #tpu.memory_space<hbm>> -> memref<1x200x64xf32, #tpu.memory_space<hbm>>
        %dma_wait3A_132 = tpu.memref_squeeze %dma_wait3A_131 : memref<1x200x64xf32, #tpu.memory_space<hbm>> -> memref<200x64xf32, #tpu.memory_space<hbm>>
        tpu.wait_dma2 semaphore(%arg13 : memref<!tpu.dma_semaphore, #tpu.memory_space<semaphore_mem>>) src(%dma_wait3A_132 : memref<200x64xf32, #tpu.memory_space<hbm>>) dst(%arg9 : memref<200x64xf32, #tpu.memory_space<vmem>>)
        %add3A_133 = arith.addi %mul3A_2, %sub3A_76 : i32
        %dma_start3A = arith.constant 0 : i32
        %dma_start3A_134 = arith.constant 0 : i32
        %dma_start3A_135 = tpu.memref_slice %arg4[%add3A_133, %dma_start3A, %dma_start3A_134] : memref<4096x200x64xf32, #tpu.memory_space<hbm>> -> memref<1x200x64xf32, #tpu.memory_space<hbm>>
        %dma_start3A_136 = tpu.memref_squeeze %dma_start3A_135 : memref<1x200x64xf32, #tpu.memory_space<hbm>> -> memref<200x64xf32, #tpu.memory_space<hbm>>
        %dma_start3A_137 = arith.constant 0 : i32
        %dma_start3A_138 = arith.constant 0 : i32
        %dma_start3A_139 = tpu.memref_slice %arg4[%add3A_133, %dma_start3A_137, %dma_start3A_138] : memref<4096x200x64xf32, #tpu.memory_space<hbm>> -> memref<1x200x64xf32, #tpu.memory_space<hbm>>
        %dma_start3A_140 = tpu.memref_squeeze %dma_start3A_139 : memref<1x200x64xf32, #tpu.memory_space<hbm>> -> memref<200x64xf32, #tpu.memory_space<hbm>>
        tpu.enqueue_dma source(%arg9 : memref<200x64xf32, #tpu.memory_space<vmem>>) target(%dma_start3A_140 : memref<200x64xf32, #tpu.memory_space<hbm>>) target_semaphore(%arg17 : memref<!tpu.dma_semaphore, #tpu.memory_space<semaphore_mem>>)
      } else {
      }
      %mul3A_85 = arith.constant 4 : i32
      %mul3A_86 = arith.muli %scan3A_51, %mul3A_85 : i32
      %add3A_87 = arith.constant 2 : i32
      %add3A_88 = arith.addi %mul3A_86, %add3A_87 : i32
      %lt3A_89 = arith.constant 128 : i32
      %lt3A_90 = arith.cmpi slt, %add3A_88, %lt3A_89 : i32
      %convert_element_type3A_91 = arith.extui %lt3A_90 : i1 to i32
      %cond3A_92 = arith.constant 0 : i32
      %cond3A_93 = arith.cmpi ne, %convert_element_type3A_91, %cond3A_92 : i32
      scf.if %cond3A_93 {
        %ge3A_124 = arith.constant 4 : i32
        %ge3A_125 = arith.cmpi sge, %add3A_88, %ge3A_124 : i32
        %convert_element_type3A_126 = arith.extui %ge3A_125 : i1 to i32
        %cond3A_127 = arith.constant 0 : i32
        %cond3A_128 = arith.cmpi ne, %convert_element_type3A_126, %cond3A_127 : i32
        scf.if %cond3A_128 {
          %dma_wait3A_146 = arith.constant 0 : i32
          %dma_wait3A_147 = arith.constant 0 : i32
          %dma_wait3A_148 = arith.constant 0 : i32
          %dma_wait3A_149 = tpu.memref_slice %arg4[%dma_wait3A_146, %dma_wait3A_147, %dma_wait3A_148] : memref<4096x200x64xf32, #tpu.memory_space<hbm>> -> memref<1x200x64xf32, #tpu.memory_space<hbm>>
          %dma_wait3A_150 = tpu.memref_squeeze %dma_wait3A_149 : memref<1x200x64xf32, #tpu.memory_space<hbm>> -> memref<200x64xf32, #tpu.memory_space<hbm>>
          %dma_wait3A_151 = arith.constant 0 : i32
          %dma_wait3A_152 = arith.constant 0 : i32
          %dma_wait3A_153 = tpu.memref_slice %arg4[%dma_wait3A_146, %dma_wait3A_151, %dma_wait3A_152] : memref<4096x200x64xf32, #tpu.memory_space<hbm>> -> memref<1x200x64xf32, #tpu.memory_space<hbm>>
          %dma_wait3A_154 = tpu.memref_squeeze %dma_wait3A_153 : memref<1x200x64xf32, #tpu.memory_space<hbm>> -> memref<200x64xf32, #tpu.memory_space<hbm>>
          tpu.wait_dma2 semaphore(%arg16 : memref<!tpu.dma_semaphore, #tpu.memory_space<semaphore_mem>>) src(%arg8 : memref<200x64xf32, #tpu.memory_space<vmem>>) dst(%dma_wait3A_154 : memref<200x64xf32, #tpu.memory_space<hbm>>)
        } else {
        }
        %dma_start3A = arith.constant 0 : i32
        %dma_start3A_129 = arith.constant 0 : i32
        %dma_start3A_130 = tpu.memref_slice %arg8[%dma_start3A, %dma_start3A_129] : memref<200x64xf32, #tpu.memory_space<vmem>> -> memref<128x64xf32, #tpu.memory_space<vmem>>
        %dma_start3A_131 = arith.constant 0 : i32
        %dma_start3A_132 = tpu.memref_slice %arg5[%add3A_88, %dma_start3A_131] : memref<128x200xi32, #tpu.memory_space<vmem>> -> memref<1x128xi32, #tpu.memory_space<vmem>>
        %dma_start3A_133 = tpu.memref_squeeze %dma_start3A_132 : memref<1x128xi32, #tpu.memory_space<vmem>> -> memref<128xi32, #tpu.memory_space<vmem>>
        %dma_start3A_134 = arith.constant 0 : i32
        %dma_start3A_135 = arith.constant 0 : i32
        %dma_start3A_136 = tpu.memref_slice %arg3[%dma_start3A_134, %dma_start3A_135] : memref<1000100x64xf32, #tpu.memory_space<hbm>> -> memref<1000100x64xf32, #tpu.memory_space<hbm>>
        tpu.enqueue_indirect_dma source(%dma_start3A_136 : memref<1000100x64xf32, #tpu.memory_space<hbm>>) target(%dma_start3A_130 : memref<128x64xf32, #tpu.memory_space<vmem>>) offsets(%dma_start3A_133 : memref<128xi32, #tpu.memory_space<vmem>>) semaphore(%arg12 : memref<!tpu.dma_semaphore, #tpu.memory_space<semaphore_mem>>)
        %dma_start3A_137 = arith.constant 128 : i32
        %dma_start3A_138 = arith.constant 0 : i32
        %dma_start3A_139 = tpu.memref_slice %arg8[%dma_start3A_137, %dma_start3A_138] : memref<200x64xf32, #tpu.memory_space<vmem>> -> memref<72x64xf32, #tpu.memory_space<vmem>>
        %dma_start3A_140 = arith.constant 128 : i32
        %dma_start3A_141 = tpu.memref_slice %arg5[%add3A_88, %dma_start3A_140] : memref<128x200xi32, #tpu.memory_space<vmem>> -> memref<1x72xi32, #tpu.memory_space<vmem>>
        %dma_start3A_142 = tpu.memref_squeeze %dma_start3A_141 : memref<1x72xi32, #tpu.memory_space<vmem>> -> memref<72xi32, #tpu.memory_space<vmem>>
        %dma_start3A_143 = arith.constant 0 : i32
        %dma_start3A_144 = arith.constant 0 : i32
        %dma_start3A_145 = tpu.memref_slice %arg3[%dma_start3A_143, %dma_start3A_144] : memref<1000100x64xf32, #tpu.memory_space<hbm>> -> memref<1000100x64xf32, #tpu.memory_space<hbm>>
        tpu.enqueue_indirect_dma source(%dma_start3A_145 : memref<1000100x64xf32, #tpu.memory_space<hbm>>) target(%dma_start3A_139 : memref<72x64xf32, #tpu.memory_space<vmem>>) offsets(%dma_start3A_142 : memref<72xi32, #tpu.memory_space<vmem>>) semaphore(%arg12 : memref<!tpu.dma_semaphore, #tpu.memory_space<semaphore_mem>>)
      } else {
      }
      %sub3A_94 = arith.constant 2 : i32
      %sub3A_95 = arith.subi %add3A_88, %sub3A_94 : i32
      %ge3A_96 = arith.constant 0 : i32
      %ge3A_97 = arith.cmpi sge, %sub3A_95, %ge3A_96 : i32
      %lt3A_98 = arith.constant 128 : i32
      %lt3A_99 = arith.cmpi slt, %sub3A_95, %lt3A_98 : i32
      %and3A_100 = arith.andi %ge3A_97, %lt3A_99 : i1
      %convert_element_type3A_101 = arith.extui %and3A_100 : i1 to i32
      %cond3A_102 = arith.constant 0 : i32
      %cond3A_103 = arith.cmpi ne, %convert_element_type3A_101, %cond3A_102 : i32
      scf.if %cond3A_103 {
        %dma_wait3A_124 = arith.constant 0 : i32
        %dma_wait3A_125 = arith.constant 0 : i32
        %dma_wait3A_126 = arith.constant 0 : i32
        %dma_wait3A_127 = tpu.memref_slice %arg4[%dma_wait3A_124, %dma_wait3A_125, %dma_wait3A_126] : memref<4096x200x64xf32, #tpu.memory_space<hbm>> -> memref<1x200x64xf32, #tpu.memory_space<hbm>>
        %dma_wait3A_128 = tpu.memref_squeeze %dma_wait3A_127 : memref<1x200x64xf32, #tpu.memory_space<hbm>> -> memref<200x64xf32, #tpu.memory_space<hbm>>
        %dma_wait3A_129 = arith.constant 0 : i32
        %dma_wait3A_130 = arith.constant 0 : i32
        %dma_wait3A_131 = tpu.memref_slice %arg4[%dma_wait3A_124, %dma_wait3A_129, %dma_wait3A_130] : memref<4096x200x64xf32, #tpu.memory_space<hbm>> -> memref<1x200x64xf32, #tpu.memory_space<hbm>>
        %dma_wait3A_132 = tpu.memref_squeeze %dma_wait3A_131 : memref<1x200x64xf32, #tpu.memory_space<hbm>> -> memref<200x64xf32, #tpu.memory_space<hbm>>
        tpu.wait_dma2 semaphore(%arg10 : memref<!tpu.dma_semaphore, #tpu.memory_space<semaphore_mem>>) src(%dma_wait3A_132 : memref<200x64xf32, #tpu.memory_space<hbm>>) dst(%arg6 : memref<200x64xf32, #tpu.memory_space<vmem>>)
        %add3A_133 = arith.addi %mul3A_2, %sub3A_95 : i32
        %dma_start3A = arith.constant 0 : i32
        %dma_start3A_134 = arith.constant 0 : i32
        %dma_start3A_135 = tpu.memref_slice %arg4[%add3A_133, %dma_start3A, %dma_start3A_134] : memref<4096x200x64xf32, #tpu.memory_space<hbm>> -> memref<1x200x64xf32, #tpu.memory_space<hbm>>
        %dma_start3A_136 = tpu.memref_squeeze %dma_start3A_135 : memref<1x200x64xf32, #tpu.memory_space<hbm>> -> memref<200x64xf32, #tpu.memory_space<hbm>>
        %dma_start3A_137 = arith.constant 0 : i32
        %dma_start3A_138 = arith.constant 0 : i32
        %dma_start3A_139 = tpu.memref_slice %arg4[%add3A_133, %dma_start3A_137, %dma_start3A_138] : memref<4096x200x64xf32, #tpu.memory_space<hbm>> -> memref<1x200x64xf32, #tpu.memory_space<hbm>>
        %dma_start3A_140 = tpu.memref_squeeze %dma_start3A_139 : memref<1x200x64xf32, #tpu.memory_space<hbm>> -> memref<200x64xf32, #tpu.memory_space<hbm>>
        tpu.enqueue_dma source(%arg6 : memref<200x64xf32, #tpu.memory_space<vmem>>) target(%dma_start3A_140 : memref<200x64xf32, #tpu.memory_space<hbm>>) target_semaphore(%arg14 : memref<!tpu.dma_semaphore, #tpu.memory_space<semaphore_mem>>)
      } else {
      }
      %mul3A_104 = arith.constant 4 : i32
      %mul3A_105 = arith.muli %scan3A_51, %mul3A_104 : i32
      %add3A_106 = arith.constant 3 : i32
      %add3A_107 = arith.addi %mul3A_105, %add3A_106 : i32
      %lt3A_108 = arith.constant 128 : i32
      %lt3A_109 = arith.cmpi slt, %add3A_107, %lt3A_108 : i32
      %convert_element_type3A_110 = arith.extui %lt3A_109 : i1 to i32
      %cond3A_111 = arith.constant 0 : i32
      %cond3A_112 = arith.cmpi ne, %convert_element_type3A_110, %cond3A_111 : i32
      scf.if %cond3A_112 {
        %ge3A_124 = arith.constant 4 : i32
        %ge3A_125 = arith.cmpi sge, %add3A_107, %ge3A_124 : i32
        %convert_element_type3A_126 = arith.extui %ge3A_125 : i1 to i32
        %cond3A_127 = arith.constant 0 : i32
        %cond3A_128 = arith.cmpi ne, %convert_element_type3A_126, %cond3A_127 : i32
        scf.if %cond3A_128 {
          %dma_wait3A_146 = arith.constant 0 : i32
          %dma_wait3A_147 = arith.constant 0 : i32
          %dma_wait3A_148 = arith.constant 0 : i32
          %dma_wait3A_149 = tpu.memref_slice %arg4[%dma_wait3A_146, %dma_wait3A_147, %dma_wait3A_148] : memref<4096x200x64xf32, #tpu.memory_space<hbm>> -> memref<1x200x64xf32, #tpu.memory_space<hbm>>
          %dma_wait3A_150 = tpu.memref_squeeze %dma_wait3A_149 : memref<1x200x64xf32, #tpu.memory_space<hbm>> -> memref<200x64xf32, #tpu.memory_space<hbm>>
          %dma_wait3A_151 = arith.constant 0 : i32
          %dma_wait3A_152 = arith.constant 0 : i32
          %dma_wait3A_153 = tpu.memref_slice %arg4[%dma_wait3A_146, %dma_wait3A_151, %dma_wait3A_152] : memref<4096x200x64xf32, #tpu.memory_space<hbm>> -> memref<1x200x64xf32, #tpu.memory_space<hbm>>
          %dma_wait3A_154 = tpu.memref_squeeze %dma_wait3A_153 : memref<1x200x64xf32, #tpu.memory_space<hbm>> -> memref<200x64xf32, #tpu.memory_space<hbm>>
          tpu.wait_dma2 semaphore(%arg17 : memref<!tpu.dma_semaphore, #tpu.memory_space<semaphore_mem>>) src(%arg9 : memref<200x64xf32, #tpu.memory_space<vmem>>) dst(%dma_wait3A_154 : memref<200x64xf32, #tpu.memory_space<hbm>>)
        } else {
        }
        %dma_start3A = arith.constant 0 : i32
        %dma_start3A_129 = arith.constant 0 : i32
        %dma_start3A_130 = tpu.memref_slice %arg9[%dma_start3A, %dma_start3A_129] : memref<200x64xf32, #tpu.memory_space<vmem>> -> memref<128x64xf32, #tpu.memory_space<vmem>>
        %dma_start3A_131 = arith.constant 0 : i32
        %dma_start3A_132 = tpu.memref_slice %arg5[%add3A_107, %dma_start3A_131] : memref<128x200xi32, #tpu.memory_space<vmem>> -> memref<1x128xi32, #tpu.memory_space<vmem>>
        %dma_start3A_133 = tpu.memref_squeeze %dma_start3A_132 : memref<1x128xi32, #tpu.memory_space<vmem>> -> memref<128xi32, #tpu.memory_space<vmem>>
        %dma_start3A_134 = arith.constant 0 : i32
        %dma_start3A_135 = arith.constant 0 : i32
        %dma_start3A_136 = tpu.memref_slice %arg3[%dma_start3A_134, %dma_start3A_135] : memref<1000100x64xf32, #tpu.memory_space<hbm>> -> memref<1000100x64xf32, #tpu.memory_space<hbm>>
        tpu.enqueue_indirect_dma source(%dma_start3A_136 : memref<1000100x64xf32, #tpu.memory_space<hbm>>) target(%dma_start3A_130 : memref<128x64xf32, #tpu.memory_space<vmem>>) offsets(%dma_start3A_133 : memref<128xi32, #tpu.memory_space<vmem>>) semaphore(%arg13 : memref<!tpu.dma_semaphore, #tpu.memory_space<semaphore_mem>>)
        %dma_start3A_137 = arith.constant 128 : i32
        %dma_start3A_138 = arith.constant 0 : i32
        %dma_start3A_139 = tpu.memref_slice %arg9[%dma_start3A_137, %dma_start3A_138] : memref<200x64xf32, #tpu.memory_space<vmem>> -> memref<72x64xf32, #tpu.memory_space<vmem>>
        %dma_start3A_140 = arith.constant 128 : i32
        %dma_start3A_141 = tpu.memref_slice %arg5[%add3A_107, %dma_start3A_140] : memref<128x200xi32, #tpu.memory_space<vmem>> -> memref<1x72xi32, #tpu.memory_space<vmem>>
        %dma_start3A_142 = tpu.memref_squeeze %dma_start3A_141 : memref<1x72xi32, #tpu.memory_space<vmem>> -> memref<72xi32, #tpu.memory_space<vmem>>
        %dma_start3A_143 = arith.constant 0 : i32
        %dma_start3A_144 = arith.constant 0 : i32
        %dma_start3A_145 = tpu.memref_slice %arg3[%dma_start3A_143, %dma_start3A_144] : memref<1000100x64xf32, #tpu.memory_space<hbm>> -> memref<1000100x64xf32, #tpu.memory_space<hbm>>
        tpu.enqueue_indirect_dma source(%dma_start3A_145 : memref<1000100x64xf32, #tpu.memory_space<hbm>>) target(%dma_start3A_139 : memref<72x64xf32, #tpu.memory_space<vmem>>) offsets(%dma_start3A_142 : memref<72xi32, #tpu.memory_space<vmem>>) semaphore(%arg13 : memref<!tpu.dma_semaphore, #tpu.memory_space<semaphore_mem>>)
      } else {
      }
      %sub3A_113 = arith.constant 2 : i32
      %sub3A_114 = arith.subi %add3A_107, %sub3A_113 : i32
      %ge3A_115 = arith.constant 0 : i32
      %ge3A_116 = arith.cmpi sge, %sub3A_114, %ge3A_115 : i32
      %lt3A_117 = arith.constant 128 : i32
      %lt3A_118 = arith.cmpi slt, %sub3A_114, %lt3A_117 : i32
      %and3A_119 = arith.andi %ge3A_116, %lt3A_118 : i1
      %convert_element_type3A_120 = arith.extui %and3A_119 : i1 to i32
      %cond3A_121 = arith.constant 0 : i32
      %cond3A_122 = arith.cmpi ne, %convert_element_type3A_120, %cond3A_121 : i32
      scf.if %cond3A_122 {
        %dma_wait3A_124 = arith.constant 0 : i32
        %dma_wait3A_125 = arith.constant 0 : i32
        %dma_wait3A_126 = arith.constant 0 : i32
        %dma_wait3A_127 = tpu.memref_slice %arg4[%dma_wait3A_124, %dma_wait3A_125, %dma_wait3A_126] : memref<4096x200x64xf32, #tpu.memory_space<hbm>> -> memref<1x200x64xf32, #tpu.memory_space<hbm>>
        %dma_wait3A_128 = tpu.memref_squeeze %dma_wait3A_127 : memref<1x200x64xf32, #tpu.memory_space<hbm>> -> memref<200x64xf32, #tpu.memory_space<hbm>>
        %dma_wait3A_129 = arith.constant 0 : i32
        %dma_wait3A_130 = arith.constant 0 : i32
        %dma_wait3A_131 = tpu.memref_slice %arg4[%dma_wait3A_124, %dma_wait3A_129, %dma_wait3A_130] : memref<4096x200x64xf32, #tpu.memory_space<hbm>> -> memref<1x200x64xf32, #tpu.memory_space<hbm>>
        %dma_wait3A_132 = tpu.memref_squeeze %dma_wait3A_131 : memref<1x200x64xf32, #tpu.memory_space<hbm>> -> memref<200x64xf32, #tpu.memory_space<hbm>>
        tpu.wait_dma2 semaphore(%arg11 : memref<!tpu.dma_semaphore, #tpu.memory_space<semaphore_mem>>) src(%dma_wait3A_132 : memref<200x64xf32, #tpu.memory_space<hbm>>) dst(%arg7 : memref<200x64xf32, #tpu.memory_space<vmem>>)
        %add3A_133 = arith.addi %mul3A_2, %sub3A_114 : i32
        %dma_start3A = arith.constant 0 : i32
        %dma_start3A_134 = arith.constant 0 : i32
        %dma_start3A_135 = tpu.memref_slice %arg4[%add3A_133, %dma_start3A, %dma_start3A_134] : memref<4096x200x64xf32, #tpu.memory_space<hbm>> -> memref<1x200x64xf32, #tpu.memory_space<hbm>>
        %dma_start3A_136 = tpu.memref_squeeze %dma_start3A_135 : memref<1x200x64xf32, #tpu.memory_space<hbm>> -> memref<200x64xf32, #tpu.memory_space<hbm>>
        %dma_start3A_137 = arith.constant 0 : i32
        %dma_start3A_138 = arith.constant 0 : i32
        %dma_start3A_139 = tpu.memref_slice %arg4[%add3A_133, %dma_start3A_137, %dma_start3A_138] : memref<4096x200x64xf32, #tpu.memory_space<hbm>> -> memref<1x200x64xf32, #tpu.memory_space<hbm>>
        %dma_start3A_140 = tpu.memref_squeeze %dma_start3A_139 : memref<1x200x64xf32, #tpu.memory_space<hbm>> -> memref<200x64xf32, #tpu.memory_space<hbm>>
        tpu.enqueue_dma source(%arg7 : memref<200x64xf32, #tpu.memory_space<vmem>>) target(%dma_start3A_140 : memref<200x64xf32, #tpu.memory_space<hbm>>) target_semaphore(%arg15 : memref<!tpu.dma_semaphore, #tpu.memory_space<semaphore_mem>>)
      } else {
      }
      %scan3A_123 = arith.constant 0 : i32
      scf.yield %scan3A_123 : i32
    }
    %scan3A_15 = arith.constant 33 : i32
    %dma_wait3A = arith.constant 0 : i32
    %dma_wait3A_16 = arith.constant 0 : i32
    %dma_wait3A_17 = arith.constant 0 : i32
    %dma_wait3A_18 = tpu.memref_slice %arg4[%dma_wait3A, %dma_wait3A_16, %dma_wait3A_17] : memref<4096x200x64xf32, #tpu.memory_space<hbm>> -> memref<1x200x64xf32, #tpu.memory_space<hbm>>
    %dma_wait3A_19 = tpu.memref_squeeze %dma_wait3A_18 : memref<1x200x64xf32, #tpu.memory_space<hbm>> -> memref<200x64xf32, #tpu.memory_space<hbm>>
    %dma_wait3A_20 = arith.constant 0 : i32
    %dma_wait3A_21 = arith.constant 0 : i32
    %dma_wait3A_22 = tpu.memref_slice %arg4[%dma_wait3A, %dma_wait3A_20, %dma_wait3A_21] : memref<4096x200x64xf32, #tpu.memory_space<hbm>> -> memref<1x200x64xf32, #tpu.memory_space<hbm>>
    %dma_wait3A_23 = tpu.memref_squeeze %dma_wait3A_22 : memref<1x200x64xf32, #tpu.memory_space<hbm>> -> memref<200x64xf32, #tpu.memory_space<hbm>>
    tpu.wait_dma2 semaphore(%arg14 : memref<!tpu.dma_semaphore, #tpu.memory_space<semaphore_mem>>) src(%arg6 : memref<200x64xf32, #tpu.memory_space<vmem>>) dst(%dma_wait3A_23 : memref<200x64xf32, #tpu.memory_space<hbm>>)
    %dma_wait3A_24 = arith.constant 0 : i32
    %dma_wait3A_25 = arith.constant 0 : i32
    %dma_wait3A_26 = arith.constant 0 : i32
    %dma_wait3A_27 = tpu.memref_slice %arg4[%dma_wait3A_24, %dma_wait3A_25, %dma_wait3A_26] : memref<4096x200x64xf32, #tpu.memory_space<hbm>> -> memref<1x200x64xf32, #tpu.memory_space<hbm>>
    %dma_wait3A_28 = tpu.memref_squeeze %dma_wait3A_27 : memref<1x200x64xf32, #tpu.memory_space<hbm>> -> memref<200x64xf32, #tpu.memory_space<hbm>>
    %dma_wait3A_29 = arith.constant 0 : i32
    %dma_wait3A_30 = arith.constant 0 : i32
    %dma_wait3A_31 = tpu.memref_slice %arg4[%dma_wait3A_24, %dma_wait3A_29, %dma_wait3A_30] : memref<4096x200x64xf32, #tpu.memory_space<hbm>> -> memref<1x200x64xf32, #tpu.memory_space<hbm>>
    %dma_wait3A_32 = tpu.memref_squeeze %dma_wait3A_31 : memref<1x200x64xf32, #tpu.memory_space<hbm>> -> memref<200x64xf32, #tpu.memory_space<hbm>>
    tpu.wait_dma2 semaphore(%arg15 : memref<!tpu.dma_semaphore, #tpu.memory_space<semaphore_mem>>) src(%arg7 : memref<200x64xf32, #tpu.memory_space<vmem>>) dst(%dma_wait3A_32 : memref<200x64xf32, #tpu.memory_space<hbm>>)
    %dma_wait3A_33 = arith.constant 0 : i32
    %dma_wait3A_34 = arith.constant 0 : i32
    %dma_wait3A_35 = arith.constant 0 : i32
    %dma_wait3A_36 = tpu.memref_slice %arg4[%dma_wait3A_33, %dma_wait3A_34, %dma_wait3A_35] : memref<4096x200x64xf32, #tpu.memory_space<hbm>> -> memref<1x200x64xf32, #tpu.memory_space<hbm>>
    %dma_wait3A_37 = tpu.memref_squeeze %dma_wait3A_36 : memref<1x200x64xf32, #tpu.memory_space<hbm>> -> memref<200x64xf32, #tpu.memory_space<hbm>>
    %dma_wait3A_38 = arith.constant 0 : i32
    %dma_wait3A_39 = arith.constant 0 : i32
    %dma_wait3A_40 = tpu.memref_slice %arg4[%dma_wait3A_33, %dma_wait3A_38, %dma_wait3A_39] : memref<4096x200x64xf32, #tpu.memory_space<hbm>> -> memref<1x200x64xf32, #tpu.memory_space<hbm>>
    %dma_wait3A_41 = tpu.memref_squeeze %dma_wait3A_40 : memref<1x200x64xf32, #tpu.memory_space<hbm>> -> memref<200x64xf32, #tpu.memory_space<hbm>>
    tpu.wait_dma2 semaphore(%arg16 : memref<!tpu.dma_semaphore, #tpu.memory_space<semaphore_mem>>) src(%arg8 : memref<200x64xf32, #tpu.memory_space<vmem>>) dst(%dma_wait3A_41 : memref<200x64xf32, #tpu.memory_space<hbm>>)
    %dma_wait3A_42 = arith.constant 0 : i32
    %dma_wait3A_43 = arith.constant 0 : i32
    %dma_wait3A_44 = arith.constant 0 : i32
    %dma_wait3A_45 = tpu.memref_slice %arg4[%dma_wait3A_42, %dma_wait3A_43, %dma_wait3A_44] : memref<4096x200x64xf32, #tpu.memory_space<hbm>> -> memref<1x200x64xf32, #tpu.memory_space<hbm>>
    %dma_wait3A_46 = tpu.memref_squeeze %dma_wait3A_45 : memref<1x200x64xf32, #tpu.memory_space<hbm>> -> memref<200x64xf32, #tpu.memory_space<hbm>>
    %dma_wait3A_47 = arith.constant 0 : i32
    %dma_wait3A_48 = arith.constant 0 : i32
    %dma_wait3A_49 = tpu.memref_slice %arg4[%dma_wait3A_42, %dma_wait3A_47, %dma_wait3A_48] : memref<4096x200x64xf32, #tpu.memory_space<hbm>> -> memref<1x200x64xf32, #tpu.memory_space<hbm>>
    %dma_wait3A_50 = tpu.memref_squeeze %dma_wait3A_49 : memref<1x200x64xf32, #tpu.memory_space<hbm>> -> memref<200x64xf32, #tpu.memory_space<hbm>>
    tpu.wait_dma2 semaphore(%arg17 : memref<!tpu.dma_semaphore, #tpu.memory_space<semaphore_mem>>) src(%arg9 : memref<200x64xf32, #tpu.memory_space<vmem>>) dst(%dma_wait3A_50 : memref<200x64xf32, #tpu.memory_space<hbm>>)
    return
  }
}

</mosaic_0001>

<sc_bundles>
// kernel: kernel.3.cloned.1.call-start
scs
__scs_entry_jumppad:
0x0: {  	(pc) =	sbr.rel $0x88, $3  }
0x1: {  	(tag) =	ssettag $0x0;
	lr =	simm.s32 $0x1  }
0x2: {  	[smem:$0x3F9F] =	sst lr;
	_ =	strace $0xD0000000  }
0x3: {  	_ = 	snop  }
0x4: {  	_ = 	snop  }
0x5: {  	_ = 	snop  }
0x6: {  	_ = 	snop  }
0x7: {  	_ = 	snop  }
__scs_overlays_trampoline_lowered:
0x8: {  	[smem:$0x3FAE] =	sst s0  }
0x9: {  	[smem:$0x3FAF] =	sst s1  }
0xa: {  	[smem:$0x3FB0] =	sst s2  }
0xb: {  	[smem:$0x3FB1] =	sst s3  }
0xc: {  	[smem:$0x3FB2] =	sst s4  }
0xd: {  	[smem:$0x3FB3] =	sst s5  }
0xe: {  	[smem:$0x3FB4] =	sst s6  }
0xf: {  	[smem:$0x3FB5] =	sst s7  }
0x10: {  	[smem:$0x3FB6] =	sst s8  }
0x11: {  	[smem:$0x3FB7] =	sst s9;
	s0 =	simm.s32 @!p0 $0x0  }
0x12: {  	s1 =	sld [smem:$0x3F9D];
	s0 =	simm.s32 @p0 $0x1  }
0x13: {  	[smem:$0x3FB8] =	sst s0;
	s0 =	simm.s32 @!p1 $0x0  }
0x14: {  	s2 =	sld [smem:$0x3F9C];
	s0 =	simm.s32 @p1 $0x1  }
0x15: {  	[smem:$0x3FB9] =	sst s0;
	s0 =	simm.s32 @!p2 $0x0  }
0x16: {  	s3 =	sld [smem:$0x3FDB];
	s0 =	simm.s32 @p2 $0x1  }
0x17: {  	s4 =	simm.s32 $0x1BF5;
	[smem:$0x3FBB] =	sst s0  }
0x18: {  	s0 =	sld [smem:$0x3F9E];
	_ =	swait.ge [sflag:s4], $0x0  }
0x19: {  	s7 =	sld [smem:$0x3F9F]  }
0x1a: {  	s8 =	sadd.s32 $0xFFFFE003, lr  }
0x1b: {  	s9 =	sadd.s32 $0xFFFFFEF7, lr;
	s5 =	simm.s32 $0xFFFFFFFF;
	p2 =	slt.u32 s8, $0xFFFFF086  }
0x1c: {  	p1 =	slt.u32 s9, $0xF7A;
	s5 =	simm.s32 @!p2 $0x0  }
0x1d: {  	s5 =	simm.s32 @p1 $0x1;
	p0 =	seq.s32 s7, s2  }
0x1e: {  	s7 =	smul.u32 @!p0 $0xF7A, s2;
	p2 =	seq.s32 @!p0 s5, $0x0  }
0x1f: {  	s9 =	smul.u32 $0xF7A, s1;
	s8 =	simm.s32 @!p0 $0x1BF5;
	p2 =	por !p2, p0  }
0x20: {  	[sflag:s8] =	ssyncset.s32 @!p0 $0xFFFFF086;
	s6 =	sadd.s32 @!p0 s3, s7;
	s7 =	simm.s32 @!p0 $0x108  }
0x21: {  	s3 =	sadd.s32 s3, s9;
	s6 =	sadd.s32 @!p0 $0x88, s6;
	s7 =	simm.s32 @p2 $0x1082  }
0x22: {  	[simem:s7], [sflag:s8] =	dma.local @!p0 [hbm:s6], $0xF7A  }
0x23: {  	s9 =	sor.u32 $0xD0000000, s2;
	s6 =	simm.s32 $0x108;
	_ =	swait.ge @!p0 [sflag:s8], $0x0  }
0x24: {  	s3 =	sadd.s32 $0x88, s3;
	s6 =	simm.s32 @!p1 $0x1082;
	[sflag:s4] =	ssyncset.s32 $0xFFFFF086  }
0x25: {  	[simem:s6], [sflag:s4] =	dma.local [hbm:s3], $0xF7A  }
0x26: {  	[smem:$0x3F9F] =	sst s1;
	(tag) =	ssettag s2;
	_ =	strace s9  }
0x27: {  	s1 =	sld [smem:$0x3FAF]  }
0x28: {  	s2 =	sld [smem:$0x3FB0]  }
0x29: {  	s4 =	sld [smem:$0x3FB2]  }
0x2a: {  	p0 =	seq.s32 s5, $0x0;
	s5 =	sld [smem:$0x3FB3]  }
0x2b: {  	s6 =	sld [smem:$0x3FB4]  }
0x2c: {  	s7 =	sld [smem:$0x3FB5]  }
0x2d: {  	s3 =	simm.s32 $0x108;
	s8 =	sld [smem:$0x3FB6]  }
0x2e: {  	s3 =	simm.s32 @!p0 $0x1082;
	s9 =	sld [smem:$0x3FB7]  }
0x2f: {  	lr =	sadd.s32 s0, s3;
	s0 =	sld [smem:$0x3FAE]  }
0x30: {  	s3 =	sld [smem:$0x3FB1]  }
0x31: {  	[smem:$0x3FBA] =	sst s10  }
0x32: {  	s10 =	sld [smem:$0x3FB8];
	_ =	sdelay $0x3  }
0x33: {  	p0 =	seq.s32 s10, $0x1;
	s10 =	sld [smem:$0x3FBA];
	_ =	sdelay $0x3  }
0x34: {  	[smem:$0x3FBA] =	sst s10  }
0x35: {  	s10 =	sld [smem:$0x3FB9];
	_ =	sdelay $0x3  }
0x36: {  	p1 =	seq.s32 s10, $0x1;
	s10 =	sld [smem:$0x3FBA];
	_ =	sdelay $0x3  }
0x37: {  	[smem:$0x3FBA] =	sst s10  }
0x38: {  	s10 =	sld [smem:$0x3FBB]  }
0x39: {  	_ = 	snop;
	(pc) =	sbr.ind lr, $3  }
0x3a: {  	_ = 	snop  }
0x3b: {  	_ = 	snop  }
0x3c: {  	p2 =	seq.s32 s10, $0x1;
	s10 =	sld [smem:$0x3FBA]  }
0x3d: {  	_ =	shalt  }
0x3e: {  	_ =	shalt  }
0x3f: {  	_ =	shalt  }
0x40: {  	_ =	shalt  }
0x41: {  	_ =	shalt  }
0x42: {  	_ =	shalt  }
0x43: {  	_ =	shalt  }
0x44: {  	_ =	shalt  }
0x45: {  	_ =	shalt  }
0x46: {  	_ =	shalt  }
0x47: {  	_ =	shalt  }
0x48: {  	_ =	shalt  }
0x49: {  	_ =	shalt  }
0x4a: {  	_ =	shalt  }
0x4b: {  	_ =	shalt  }
0x4c: {  	_ =	shalt  }
0x4d: {  	_ =	shalt  }
0x4e: {  	_ =	shalt  }
0x4f: {  	_ =	shalt  }
0x50: {  	_ =	shalt  }
0x51: {  	_ =	shalt  }
0x52: {  	_ =	shalt  }
0x53: {  	_ =	shalt  }
0x54: {  	_ =	shalt  }
0x55: {  	_ =	shalt  }
0x56: {  	_ =	shalt  }
0x57: {  	_ =	shalt  }
0x58: {  	_ =	shalt  }
0x59: {  	_ =	shalt  }
0x5a: {  	_ =	shalt  }
0x5b: {  	_ =	shalt  }
0x5c: {  	_ =	shalt  }
0x5d: {  	_ =	shalt  }
0x5e: {  	_ =	shalt  }
0x5f: {  	_ =	shalt  }
0x60: {  	_ =	shalt  }
0x61: {  	_ =	shalt  }
0x62: {  	_ =	shalt  }
0x63: {  	_ =	shalt  }
0x64: {  	_ =	shalt  }
0x65: {  	_ =	shalt  }
0x66: {  	_ =	shalt  }
0x67: {  	_ =	shalt  }
0x68: {  	_ =	shalt  }
0x69: {  	_ =	shalt  }
0x6a: {  	_ =	shalt  }
0x6b: {  	_ =	shalt  }
0x6c: {  	_ =	shalt  }
0x6d: {  	_ =	shalt  }
0x6e: {  	_ =	shalt  }
0x6f: {  	_ =	shalt  }
0x70: {  	_ =	shalt  }
0x71: {  	_ =	shalt  }
0x72: {  	_ =	shalt  }
0x73: {  	_ =	shalt  }
0x74: {  	_ =	shalt  }
0x75: {  	_ =	shalt  }
0x76: {  	_ =	shalt  }
0x77: {  	_ =	shalt  }
0x78: {  	_ =	shalt  }
0x79: {  	_ =	shalt  }
0x7a: {  	_ =	shalt  }
0x7b: {  	_ =	shalt  }
0x7c: {  	_ =	shalt  }
0x7d: {  	_ =	shalt  }
0x7e: {  	_ =	shalt  }
0x7f: {  	_ =	shalt  }
0x80: {  	_ =	shalt  }
0x81: {  	_ =	shalt  }
0x82: {  	_ =	shalt  }
0x83: {  	_ =	shalt  }
0x84: {  	_ =	shalt  }
0x85: {  	_ =	shalt  }
0x86: {  	_ =	shalt  }
0x87: {  	_ =	shalt  }
.Lfunc_end0:
.L_simem_size_0:
called_computation.1_lowered:
.L_overlay_start_0:
0x88: {  	s2 =	sld [smem:$0x3FD9]  }
0x89: {  	s3 =	sld [smem:$0x3FFE];
	_ =	sdelay $0x1  }
0x8a: {  	s1 =	srdreg.scid  }
0x8b: {  	s0 =	sand.u32 $0x1, s1  }
0x8c: {  	s17 =	sshll.u32 s0, $0xA;
	s2 =	sadd.s32 s3, s2  }
0x8d: {  	s2 =	sadd.s32 s2, s17  }
0x8e: {  	[smem:$0x3FC6] =	sst s2  }
0x8f: {  	_ = 	snop  }
0x90: {  	s2 =	sld [smem:$0x3FD0];
	(tm) =	ssettm $0x1  }
0x91: {  	s18 =	sld [smem:$0x3FFB];
	_ =	sdelay $0x3  }
0x92: {  	_ =	strace s18  }
0x93: {  	s3 =	sld [smem:$0x3FFC];
	_ =	sdelay $0x3  }
0x94: {  	_ =	strace s3  }
0x95: {  	s3 =	sld [smem:$0x3FFD];
	_ =	sdelay $0x3  }
0x96: {  	_ =	strace s3  }
0x97: {  	_ =	strace $0x8FFFFFFF  }
0x98: {  	s19 =	sld [smem:$0x3FDB];
	_ =	sdelay $0x1  }
0x99: {  	s4 =	simm.s32 $_scs_section_size  }
0x9a: {  	s5 =	simm.s32 $_size__tile_overlayer_lowered;
	s6 =	simm.s32 $_tile_overlayer_lowered  }
0x9b: {  	s22 =	simm.s32 $0x1BFF;
	s21 =	sshll.u32 s6, $0x1;
	s3 =	sadd.s32 s4, s19  }
0x9c: {  	s7 =	simm.s32 $0x0;
	s20 =	sshll.u32 s5, $0x1;
	s5 =	sadd.s32 s21, s3  }
0x9d: {  	[timem:s7], [sflag:s22] =	dma.local [hbm:s5], s20  }
0x9e: {  	_ =	swait.ge [sflag:s22], s20  }
0x9f: {  	s4 =	ssub.s32 $0x0, s20;
	[sflag:s22] =	ssyncset.done $0x0  }
0xa0: {  	[sflag:s22] =	ssyncadd.s32 s4;
	_ =	sdelay $0x1  }
0xa1: {  	s23 =	simm.s32 $0x1B8B  }
0xa2: {  	_ =	swait.ge [sflag:s23], $0x1  }
0xa3: {  	[sflag:s23] =	ssyncset.done $0x0  }
0xa4: {  	s25 =	simm.s32 $0x1B8E;
	s24 =	sld [smem:$0x3FFE];
	[sflag:s23] =	ssyncadd.s32 $0xFFFFFFFF  }
0xa5: {  	s26 =	simm.s32 $execute0_lowered;
	[smem:$0x3FD2] =	sst s25  }
0xa6: {  	s5 =	sshll.u32 s26, $0x1;
	_ =	strace $0x80000046;
	[dreg:$0x1] =	wrdreg $0xFFFFFFFF  }
0xa7: {  	s28 =	simm.s32 $_size_execute0_lowered;
	s3 =	sadd.s32 s3, s5;
	[dreg:$0x0] =	wrdreg $0x0  }
0xa8: {  	s5 =	sshll.u32 s28, $0x1;
	[dreg:$0x2] =	wrdreg s3  }
0xa9: {  	[dreg:$0x3] =	wrdreg s5  }
0xaa: {  	[dreg:$0x4] =	wrdreg $0xC0  }
0xab: {  	_ =	task [dreg:s7], $0x5FFFF  }
0xac: {  	[dreg:$0x1] =	wrdreg $0xFFFFFFFF  }
0xad: {  	[dreg:$0x0] =	wrdreg $0x60  }
0xae: {  	[dreg:$0x2] =	wrdreg s24  }
0xaf: {  	[dreg:$0x3] =	wrdreg s2  }
0xb0: {  	[dreg:$0x4] =	wrdreg $0x9  }
0xb1: {  	_ =	task.clear_ibuf [dreg:s7], $0x5FFFF;
	_ =	strace $0x90000046  }
0xb2: {  	s29 =	simm.s32 $0x9;
	_ =	strace $0x80000048  }
0xb3: {  	_ =	swait.ge [sflag:s29], $0x1  }
0xb4: {  	[sflag:s29] =	ssyncadd.s32 $0xFFFFFFFF  }
0xb5: {  	_ =	strace $0x90000048  }
0xb6: {  	_ =	sfence  }
0xb7: {  	s30 =	sld [smem:$0x0];
	_ =	sdelay $0x2  }
0xb8: {  	s31 =	sshll.u32 s1, $0xD;
	s1 =	sshrl.u32 s1, $0x2  }
0xb9: {  	s3 =	sand.u32 $0x4000, s31;
	s1 =	sadd.s32 s1, s30  }
0xba: {  	s0 =	sor.u32 s3, s0;
	s1 =	sshll.u32 s1, $0x11  }
0xbb: {  	s0 =	sor.u32 s1, s0  }
0xbc: {  	s0 =	sadd.s32 $0x8F2B, s0  }
0xbd: {  	[sflag:s0] =	ssyncadd.remote.s32 $0x1  }
0xbe: {  	_ =	sfence.sel $0xFFFF  }
0xbf: {  	[dreg:$0x0] =	wrdreg $0xFFFFFFFF;
	(pc) =	sbr.abs _section_cstart, $3  }
0xc0: {  	[dreg:$0x1] =	wrdreg $0xFFFFFFFF  }
0xc1: {  	_ =	task.clear_ibuf [dreg:s7], $0x2FFFF;
	_ =	strace $0x9FFFFFFF  }
0xc2: {  	(tm) =	ssettm $0x7FFFFFFF  }
0xc3: {  	_ =	shalt  }
tec
execute0_lowered:
.L_overlay_start_1:
0x0: {  	(tag) =	ssettag $0x1  }
0x1: {  	s0 =	srdreg.scid;
	s1 =	rddreg [dreg:$0x0]  }
0x2: {  	s9 =	stileid.u32;
	s2 =	rddreg [dreg:$0x1]  }
0x3: {  	s3 =	simm.s32 $0x0;
	s10 =	simm.s32 $0x80;
	s11 =	simm.s32 $0x6400  }
0x4: {  	s12 =	simm.s32 $0x48;
	s13 =	simm.s32 $0x8400;
	s14 =	simm.s32 $0x3  }
0x5: {  	s15 =	simm.s32 $0xC800;
	s16 =	simm.s32 $0x9600;
	s17 =	simm.s32 $0xB600  }
0x6: {  	s18 =	simm.s32 $0x4;
	s19 =	simm.s32 $0xFA00;
	s20 =	simm.s32 $0xE800  }
0x7: {  	s21 =	simm.s32 $0x1;
	s22 =	simm.s32 $0x11A00;
	s23 =	simm.s32 $0x2  }
0x8: {  	s24 =	simm.s32 $0x5;
	s25 =	simm.s32 $0x6;
	s0 =	sand.u32 $0x1, s0  }
0x9: {  	s28 =	simm.s32 $0x8;
	s4 =	sshll.u32 s9, $0x8;
	s5 =	sshll.u32 s0, $0x7  }
0xa: {  	s29 =	simm.s32 $0x0;
	s9 =	smul.u32 $0x64000, s9;
	s4 =	sor.u32 s5, s4  }
0xb: {  	[smem:$0x7FF] =	sst s3;
	s6 =	ssub.s32 $0x2, s0;
	s5 =	smul.u32 $0x19, s4  }
.Ltmp0:
0xc: {  	_ =	strace $0x80000047;
	s8 =	sshrl.u32 s6, $0x1;
	(pc) =	sbr.rel .LBB2_1-.Ltmp0, $4  }
0xd: {  	s0 =	smul.u32 $0x32000, s0;
	s31 =	sadd.s32 s9, s2;
	s26 =	ssub.s32 s6, s8  }
0xe: {  	s7 =	sadd.s32 s5, s1;
	s5 =	sadd.s32 $0xF43600, s1;
	s1 =	smax.u32 s26, $0x1  }
0xf: {  	s9 =	simm.s32 $0x9;
	s30 =	sadd.s32 $0xA00, s7;
	[dreg:$0x4] =	wrdreg s1  }
0x10: {  	s26 =	simm.s32 $0x7;
	s1 =	sadd.s32 s0, s31;
	[dreg:$0x3] =	wrdreg s30  }
.LBB2_18:
0x11: {  	_ =	swait.ge [sflag:s24], $0x3200  }
0x12: {  	[sflag:s24] =	ssyncset.done $0x0  }
0x13: {  	[sflag:s24] =	ssyncadd.s32 $0xFFFFCE00  }
0x14: {  	_ =	swait.ge [sflag:s25], $0x3200  }
0x15: {  	[sflag:s25] =	ssyncset.done $0x0  }
0x16: {  	[sflag:s25] =	ssyncadd.s32 $0xFFFFCE00  }
0x17: {  	_ =	swait.ge [sflag:s26], $0x3200  }
0x18: {  	[sflag:s26] =	ssyncset.done $0x0  }
0x19: {  	[sflag:s26] =	ssyncadd.s32 $0xFFFFCE00  }
0x1a: {  	_ =	swait.ge [sflag:s28], $0x3200  }
0x1b: {  	s29 =	sadd.s32 $0x1, s29;
	s0 =	rddreg [dreg:$0x4]  }
0x1c: {  	p0 =	sne.s32 s29, s0  }
.Ltmp1:
0x1d: {  	_ = 	snop;
	(pc) =	sbr.rel @!p0 .LBB2_19-.Ltmp1, $3  }
0x1e: {  	_ =	sdelay $0x1  }
0x1f: {  	[sflag:s28] =	ssyncset.done $0x0  }
0x20: {  	[sflag:s28] =	ssyncadd.s32 $0xFFFFCE00  }
.LBB2_1:
0x21: {  	s0 =	rddreg [dreg:$0x3]  }
0x22: {  	[tilespmem:s3], [sflag:$0x9] =	stream.linear.gather [hbm4b:s0+s3], $0x6400, $0x38;
	[tilespmem:$0x12C00] =	vst v63  }
0x23: {  	_ =	swait.ge [sflag:s9], $0x6400  }
0x24: {  	[sflag:s9] =	ssyncset.done $0x0  }
0x25: {  	s30 =	simm.s32 $0x0;
	[sflag:s9] =	ssyncadd.s32 $0xFFFF9C00  }
0x26: {  	v6 =	vld [tilespmem:s30+$0x50]  }
0x27: {  	v8 =	vld [tilespmem:s30+$0x70]  }
0x28: {  	v5 =	vld [tilespmem:s30+$0x30]  }
0x29: {  	v7 =	vld [tilespmem:s30+$0xA0]  }
0x2a: {  	v2 =	vld [tilespmem:s30+$0x80]  }
0x2b: {  	v9 =	vld [tilespmem:s30+$0x60]  }
0x2c: {  	v10 =	vld [tilespmem:s30+$0x0]  }
0x2d: {  	v1 =	vld [tilespmem:s30+$0x40]  }
0x2e: {  	v0 =	vld [tilespmem:s30+$0x10]  }
0x2f: {  	vm0 =	vlt.s32 v7, $0xF42A3;
	vm1 =	vlt.s32 v5, $0xF42A3;
	vm2 =	vlt.s32 v2, $0xF42A3  }
0x30: {  	v4 =	vld [tilespmem:s30+$0x20];
	vm3 =	vlt.s32 v8, $0xF42A3;
	v7 =	vnsel vm0, $0xF42A3, v7;
	vm0 =	vlt.s32 v6, $0xF42A3  }
0x31: {  	v3 =	vld [tilespmem:s30+$0x90];
	v5 =	vnsel vm1, $0xF42A3, v5;
	[tilespmem:s30+$0xA0] =	vst v7;
	v11 =	vnsel vm0, $0xF42A3, v6;
	vm0 =	vlt.s32 v9, $0xF42A3  }
0x32: {  	vm1 =	vlt.s32 v10, $0xF42A3;
	v8 =	vnsel vm3, $0xF42A3, v8;
	v6 =	vld [tilespmem:s30+$0xB0];
	[tilespmem:s30+$0x50] =	vst v11;
	v9 =	vnsel vm0, $0xF42A3, v9  }
0x33: {  	s8 =	simm.s32 $0x320;
	s0 =	simm.s32 $0x640;
	v7 =	vnsel vm1, $0xF42A3, v10;
	vm1 =	vlt.s32 v1, $0xF42A3;
	vm0 =	vlt.s32 v0, $0xF42A3;
	[tilespmem:s30+$0x60] =	vst v9  }
.LBB2_2:
0x34: {  	p0 =	sne.s32 s0, $0x18CE0  }
0x35: {  	s6 =	sshra.s32 s8, $0x2;
	[tilespmem:s30+$0x0] =	vst v7;
	vm3 =	vlt.s32 v4, $0xF42A3;
	v2 =	vnsel vm2, $0xF42A3, v2;
	s8 =	smov.u32 s0;
	s0 =	sadd.s32 $0x320, s0  }
0x36: {  	v7 =	vld [tilespmem:s6+$0x50];
	v4 =	vnsel vm3, $0xF42A3, v4;
	[tilespmem:s30+$0x70] =	vst v8;
	vm2 =	vlt.s32 v3, $0xF42A3  }
0x37: {  	v8 =	vld [tilespmem:s6+$0x70];
	[tilespmem:s30+$0x80] =	vst v2;
	v2 =	vnsel vm2, $0xF42A3, v3;
	vm2 =	vlt.s32 v6, $0xF42A3  }
0x38: {  	v9 =	vld [tilespmem:s6+$0x60];
	[tilespmem:s30+$0x30] =	vst v5;
	v3 =	vnsel vm2, $0xF42A3, v6  }
0x39: {  	v5 =	vld [tilespmem:s6+$0x30];
	[tilespmem:s30+$0xB0] =	vst v3  }
0x3a: {  	[tilespmem:s30+$0x20] =	vst v4;
	v3 =	vld [tilespmem:s30+$0xB8]  }
0x3b: {  	v6 =	vld [tilespmem:s6+$0xA0];
	[tilespmem:s30+$0x90] =	vst v2  }
0x3c: {  	v1 =	vnsel vm1, $0xF42A3, v1;
	v2 =	vld [tilespmem:s6+$0x80]  }
0x3d: {  	v0 =	vnsel vm0, $0xF42A3, v0;
	v10 =	vld [tilespmem:s6+$0x0];
	[tilespmem:s30+$0x40] =	vst v1  }
0x3e: {  	v1 =	vld [tilespmem:s6+$0x40];
	[tilespmem:s30+$0x10] =	vst v0  }
0x3f: {  	vm0 =	vlt.s32 v5, $0xF42A3;
	v0 =	vld [tilespmem:s6+$0x10];
	vm1 =	vlt.s32 v3, $0xF42A3  }
.Ltmp2:
0x40: {  	v5 =	vnsel vm0, $0xF42A3, v5;
	v4 =	vld [tilespmem:s6+$0x20];
	vm0 =	vlt.s32 v6, $0xF42A3;
	v11 =	vnsel vm1, $0xF42A3, v3;
	(pc) =	sbr.rel @p0 .LBB2_2-.Ltmp2, $4  }
0x41: {  	vm1 =	vlt.s32 v7, $0xF42A3;
	vm2 =	vlt.s32 v2, $0xF42A3;
	v3 =	vld [tilespmem:s6+$0x90];
	v6 =	vnsel vm0, $0xF42A3, v6;
	[tilespmem:s30+$0xB8] =	vst v11;
	s30 =	smov.u32 s6  }
0x42: {  	v11 =	vnsel vm1, $0xF42A3, v7;
	vm1 =	vlt.s32 v9, $0xF42A3;
	vm0 =	vlt.s32 v10, $0xF42A3;
	[tilespmem:s30+$0xA0] =	vst v6;
	v6 =	vld [tilespmem:s30+$0xB0]  }
0x43: {  	vm3 =	vlt.s32 v8, $0xF42A3;
	v9 =	vnsel vm1, $0xF42A3, v9;
	v7 =	vnsel vm0, $0xF42A3, v10;
	[tilespmem:s30+$0x50] =	vst v11  }
0x44: {  	v8 =	vnsel vm3, $0xF42A3, v8;
	vm1 =	vlt.s32 v1, $0xF42A3;
	vm0 =	vlt.s32 v0, $0xF42A3;
	[tilespmem:s30+$0x60] =	vst v9  }
0x45: {  	s0 =	sshra.s32 s8, $0x2;
	[tilespmem:s30+$0x0] =	vst v7  }
0x46: {  	v2 =	vnsel vm2, $0xF42A3, v2;
	v7 =	vld [tilespmem:s0+$0x50];
	[tilespmem:s30+$0x70] =	vst v8  }
0x47: {  	v8 =	vld [tilespmem:s0+$0x70];
	[tilespmem:s30+$0x80] =	vst v2;
	vm12 =	vlt.s32 v6, $0xF42A3  }
0x48: {  	vm3 =	vlt.s32 v4, $0xF42A3;
	v2 =	vld [tilespmem:s0+$0x60];
	[tilespmem:s30+$0x30] =	vst v5;
	v52 =	vnsel vm12, $0xF42A3, v6  }
0x49: {  	v4 =	vnsel vm3, $0xF42A3, v4;
	vm13 =	vlt.s32 v3, $0xF42A3;
	v53 =	vld [tilespmem:s0+$0x30];
	[tilespmem:s30+$0xB0] =	vst v52  }
0x4a: {  	v3 =	vnsel vm13, $0xF42A3, v3;
	[tilespmem:s30+$0x20] =	vst v4;
	v54 =	vld [tilespmem:s30+$0xB8]  }
0x4b: {  	v5 =	vld [tilespmem:s0+$0xA0];
	[tilespmem:s30+$0x90] =	vst v3  }
0x4c: {  	v1 =	vnsel vm1, $0xF42A3, v1;
	v3 =	vld [tilespmem:s0+$0x80]  }
0x4d: {  	v0 =	vnsel vm0, $0xF42A3, v0;
	v9 =	vld [tilespmem:s0+$0x0];
	[tilespmem:s30+$0x40] =	vst v1  }
0x4e: {  	v1 =	vld [tilespmem:s0+$0x40];
	[tilespmem:s30+$0x10] =	vst v0  }
0x4f: {  	v0 =	vld [tilespmem:s0+$0x10];
	vm14 =	vlt.s32 v54, $0xF42A3  }
0x50: {  	v10 =	vld [tilespmem:s0+$0x20];
	v4 =	vnsel vm14, $0xF42A3, v54  }
0x51: {  	v11 =	vld [tilespmem:s0+$0x90];
	[tilespmem:s30+$0xB8] =	vst v4  }
0x52: {  	v4 =	vld [tilespmem:s0+$0xB0]  }
0x53: {  	vm15 =	vlt.s32 v5, $0xF42A3  }
0x54: {  	vm4 =	vlt.s32 v7, $0xF42A3;
	v5 =	vnsel vm15, $0xF42A3, v5  }
0x55: {  	v7 =	vnsel vm4, $0xF42A3, v7;
	vm5 =	vlt.s32 v2, $0xF42A3;
	[tilespmem:s0+$0xA0] =	vst v5  }
0x56: {  	v2 =	vnsel vm5, $0xF42A3, v2;
	vm6 =	vlt.s32 v9, $0xF42A3;
	[tilespmem:s0+$0x50] =	vst v7  }
0x57: {  	v55 =	vnsel vm6, $0xF42A3, v9;
	[tilespmem:s0+$0x60] =	vst v2;
	vm7 =	vlt.s32 v4, $0xF42A3  }
0x58: {  	vm8 =	vlt.s32 v8, $0xF42A3;
	[tilespmem:s0+$0x0] =	vst v55;
	v56 =	vnsel vm7, $0xF42A3, v4  }
0x59: {  	v57 =	vnsel vm8, $0xF42A3, v8;
	vm9 =	vlt.s32 v3, $0xF42A3;
	[tilespmem:s0+$0xB0] =	vst v56  }
0x5a: {  	vm10 =	vlt.s32 v53, $0xF42A3;
	v58 =	vnsel vm9, $0xF42A3, v3;
	[tilespmem:s0+$0x70] =	vst v57;
	v59 =	vld [tilespmem:s0+$0xB8]  }
0x5b: {  	v60 =	vnsel vm10, $0xF42A3, v53;
	vm13 =	vlt.s32 v1, $0xF42A3;
	[tilespmem:s0+$0x80] =	vst v58  }
0x5c: {  	vm11 =	vlt.s32 v10, $0xF42A3;
	[tilespmem:s0+$0x30] =	vst v60;
	v1 =	vnsel vm13, $0xF42A3, v1  }
.Ltmp3:
0x5d: {  	vm12 =	vlt.s32 v11, $0xF42A3;
	v61 =	vnsel vm11, $0xF42A3, v10;
	[tilespmem:s0+$0x40] =	vst v1;
	(pc) =	sbr.rel .LBB2_4-.Ltmp3, $4  }
0x5e: {  	vm14 =	vlt.s32 v0, $0xF42A3;
	v62 =	vnsel vm12, $0xF42A3, v11;
	[tilespmem:s0+$0x20] =	vst v61  }
0x5f: {  	v0 =	vnsel vm14, $0xF42A3, v0;
	[tilespmem:s0+$0x90] =	vst v62;
	vm15 =	vlt.s32 v59, $0xF42A3  }
0x60: {  	s31 =	simm.s32 $0xFFFFFFFE;
	[tilespmem:s0+$0x10] =	vst v0;
	v63 =	vnsel vm15, $0xF42A3, v59  }
0x61: {  	s8 =	smov.u32 s1;
	s30 =	simm.s32 $0x0;
	[tilespmem:s0+$0xB8] =	vst v63;
	s0 =	simm.s32 $0x0  }
.LBB2_17:
0x62: {  	s6 =	sshra.s32 s30, $0x2  }
0x63: {  	s7 =	sadd.s32 $0x190, s6  }
0x64: {  	[tilespmem:s15], [sflag:$0x3] =	stream.indirect.gather [hbm4b:s5+s10], $0x40, s7, s10, $0xb8;
	[tilespmem:$0x12C00] =	vst v63  }
0x65: {  	s7 =	sadd.s32 $0x210, s6  }
0x66: {  	[tilespmem:s20], [sflag:$0x3] =	stream.indirect.gather [hbm4b:s5+s12], $0x40, s7, s12, $0xb8;
	[tilespmem:$0x12C00] =	vst v63  }
0x67: {  	_ =	swait.ge [sflag:s21], $0x3200  }
0x68: {  	p0 =	seq.s32 s30, $0x0;
	[sflag:s21] =	ssyncset.done $0x0  }
0x69: {  	s7 =	simm.s32 @!p0 $0x8;
	[sflag:s21] =	ssyncadd.s32 $0xFFFFCE00  }
0x6a: {  	[hbm4b:s8+s3] =	stream.linear.scatter [tilespmem:s11], [sflag:$0x5], $0x3200, $0x38;
	[tilespmem:$0x12C00] =	vst v63  }
0x6b: {  	_ =	swait.ge @!p0 [sflag:s7], $0x3200  }
0x6c: {  	[sflag:s7] =	ssyncset.done @!p0 $0x0  }
0x6d: {  	[sflag:s7] =	ssyncadd.s32 @!p0 $0xFFFFCE00;
	s7 =	sadd.s32 $0x258, s6  }
0x6e: {  	[tilespmem:s19], [sflag:$0x4] =	stream.indirect.gather [hbm4b:s5+s10], $0x40, s7, s10, $0xb8;
	[tilespmem:$0x12C00] =	vst v63  }
0x6f: {  	s6 =	sadd.s32 $0x2D8, s6  }
0x70: {  	[tilespmem:s22], [sflag:$0x4] =	stream.indirect.gather [hbm4b:s5+s12], $0x40, s6, s12, $0xb8;
	[tilespmem:$0x12C00] =	vst v63  }
0x71: {  	s0 =	sadd.s32 $0x1, s0;
	_ =	swait.ge [sflag:s23], $0x3200  }
0x72: {  	s30 =	sadd.s32 $0xC80, s30;
	s31 =	sadd.s32 $0x4, s31;
	[sflag:s23] =	ssyncset.done $0x0  }
0x73: {  	s7 =	sadd.s32 $0x640, s8;
	s8 =	sadd.s32 $0x1900, s8;
	[sflag:s23] =	ssyncadd.s32 $0xFFFFCE00  }
0x74: {  	[hbm4b:s7+s3] =	stream.linear.scatter [tilespmem:s16], [sflag:$0x6], $0x3200, $0x38;
	[tilespmem:$0x12C00] =	vst v63  }
.LBB2_4:
0x75: {  	p0 =	seq.s32 s0, $0x0  }
.Ltmp4:
0x76: {  	_ = 	snop;
	(pc) =	sbr.rel @p0 .LBB2_7-.Ltmp4, $1  }
0x77: {  	_ =	sdelay $0x3  }
0x78: {  	p1 =	seq.s32 s0, $0x20  }
.Ltmp5:
0x79: {  	_ = 	snop;
	(pc) =	sbr.rel @p1 .LBB2_8-.Ltmp5, $2  }
0x7a: {  	_ =	sdelay $0x2  }
0x7b: {  	s6 =	simm.s32 $0x7E  }
0x7c: {  	_ =	swait.ge [sflag:s24], $0x3200  }
0x7d: {  	[sflag:s24] =	ssyncset.done $0x0  }
0x7e: {  	[sflag:s24] =	ssyncadd.s32 $0xFFFFCE00  }
.LBB2_7:
0x7f: {  	p1 =	sgt.u32 s31, $0x7F  }
.Ltmp6:
0x80: {  	s6 =	sshra.s32 s30, $0x2;
	(pc) =	sbr.rel @p1 .LBB2_9-.Ltmp6, $4  }
0x81: {  	[tilespmem:s11], [sflag:$0x1] =	stream.indirect.gather [hbm4b:s5+s10], $0x40, s6, s10, $0xb8;
	[tilespmem:$0x12C00] =	vst v63  }
0x82: {  	s6 =	sadd.s32 $0x80, s6  }
0x83: {  	[tilespmem:s13], [sflag:$0x1] =	stream.indirect.gather [hbm4b:s5+s12], $0x40, s6, s12, $0xb8;
	[tilespmem:$0x12C00] =	vst v63  }
0x84: {  	s6 =	smov.u32 s31  }
.LBB2_8:
0x85: {  	s6 =	sor.u32 s4, s6  }
0x86: {  	_ =	swait.ge [sflag:s14], $0x3200;
	s6 =	smul.u32 $0x640, s6  }
0x87: {  	[sflag:s14] =	ssyncset.done $0x0  }
0x88: {  	[sflag:s14] =	ssyncadd.s32 $0xFFFFCE00;
	s6 =	sadd.s32 s2, s6  }
0x89: {  	[hbm4b:s6+s3] =	stream.linear.scatter [tilespmem:s15], [sflag:$0x7], $0x3200, $0x38;
	[tilespmem:$0x12C00] =	vst v63  }
.LBB2_9:
.Ltmp7:
0x8a: {  	(pc) =	sbr.rel @p0 .LBB2_12-.Ltmp7, $1  }
0x8b: {  	_ =	sdelay $0x3  }
0x8c: {  	p1 =	seq.s32 s0, $0x20  }
.Ltmp8:
0x8d: {  	_ = 	snop;
	(pc) =	sbr.rel @p1 .LBB2_13-.Ltmp8, $2  }
0x8e: {  	_ =	sdelay $0x2  }
0x8f: {  	s6 =	simm.s32 $0x7F  }
0x90: {  	_ =	swait.ge [sflag:s25], $0x3200  }
0x91: {  	[sflag:s25] =	ssyncset.done $0x0  }
0x92: {  	[sflag:s25] =	ssyncadd.s32 $0xFFFFCE00  }
.LBB2_12:
0x93: {  	s6 =	sshra.s32 s30, $0x2  }
0x94: {  	s7 =	sadd.s32 $0xC8, s6  }
0x95: {  	[tilespmem:s16], [sflag:$0x2] =	stream.indirect.gather [hbm4b:s5+s10], $0x40, s7, s10, $0xb8;
	[tilespmem:$0x12C00] =	vst v63  }
0x96: {  	s6 =	sadd.s32 $0x148, s6  }
0x97: {  	[tilespmem:s17], [sflag:$0x2] =	stream.indirect.gather [hbm4b:s5+s12], $0x40, s6, s12, $0xb8;
	[tilespmem:$0x12C00] =	vst v63  }
0x98: {  	s6 =	sadd.s32 $0x1, s31  }
0x99: {  	p1 =	sgt.u32 s6, $0x7F  }
.Ltmp9:
0x9a: {  	_ = 	snop;
	(pc) =	sbr.rel @p1 .LBB2_14-.Ltmp9, $1  }
0x9b: {  	_ =	sdelay $0x3  }
.LBB2_13:
0x9c: {  	s6 =	sor.u32 s4, s6  }
0x9d: {  	_ =	swait.ge [sflag:s18], $0x3200;
	s6 =	smul.u32 $0x640, s6  }
0x9e: {  	[sflag:s18] =	ssyncset.done $0x0  }
0x9f: {  	[sflag:s18] =	ssyncadd.s32 $0xFFFFCE00;
	s6 =	sadd.s32 s2, s6  }
0xa0: {  	[hbm4b:s6+s3] =	stream.linear.scatter [tilespmem:s19], [sflag:$0x8], $0x3200, $0x38;
	[tilespmem:$0x12C00] =	vst v63  }
.LBB2_14:
.Ltmp10:
0xa1: {  	(pc) =	sbr.rel @p0 .LBB2_17-.Ltmp10, $1  }
0xa2: {  	_ =	sdelay $0x3  }
0xa3: {  	p0 =	seq.s32 s0, $0x20  }
.Ltmp11:
0xa4: {  	_ = 	snop;
	(pc) =	sbr.rel @p0 .LBB2_18-.Ltmp11, $1  }
0xa5: {  	_ =	sdelay $0x3  }
.Ltmp12:
0xa6: {  	(pc) =	sbr.rel .LBB2_17-.Ltmp12, $4  }
0xa7: {  	_ = 	snop  }
0xa8: {  	_ =	swait.ge [sflag:s26], $0x3200  }
0xa9: {  	[sflag:s26] =	ssyncset.done $0x0  }
0xaa: {  	[sflag:s26] =	ssyncadd.s32 $0xFFFFCE00  }
.LBB2_19:
0xab: {  	_ =	sfence.sel $0x180000  }
0xac: {  	[bflag:$0x0] =	sbarrier.arrive $0xFFFF  }
0xad: {  	_ =	strace $0x90000047  }
0xae: {  	s0 =	stileid.u32;
	[bflag:$0x2] =	sbarrier.arrive $0xFFFF  }
0xaf: {  	p0 =	sne.s32 s0, $0x0;
	s0 =	rddreg [dreg:$0x2]  }
0xb0: {  	s0 =	sadd.s32 @!p0 $0x100000, s0  }
0xb1: {  	[sflag:s0] =	ssyncadd.tile.s32 @!p0 $0x1;
	_ =	shalt  }
.Lfunc_end2:
_tile_overlayer_lowered:
.L_overlay_start_2:
0xb2: {  	(tag) =	ssettag $0x2  }
0xb3: {  	s0 =	rddreg [dreg:$0x0];
	s2 =	stileid.u32  }
0xb4: {  	s1 =	rddreg [dreg:$0x1];
	p0 =	sne.s32 s2, $0x0  }
0xb5: {  	s3 =	rddreg [dreg:$0x2];
	[bflag:$0x3] =	sbarrier.arrive $0xFFFF;
	s2 =	simm.s32 @!p0 $0x1C09  }
0xb6: {  	[timem:s3], [sflag:s2] =	dma.local @!p0 [hbm:s0], s1  }
0xb7: {  	s0 =	simm.s32 @!p0 $0x9  }
0xb8: {  	_ =	swait.ge @!p0 [sflag:s0], s1  }
0xb9: {  	s1 =	ssub.s32 @!p0 $0x0, s1;
	[sflag:s0] =	ssyncset.done @!p0 $0x0  }
0xba: {  	[sflag:s0] =	ssyncadd.s32 @!p0 s1  }
0xbb: {  	[bflag:$0x3] =	sbarrier.arrive $0xFFFF  }
0xbc: {  	_ =	shalt  }

// kernel: sparse-core-data-format-call.cloned.1.call-start
scs
called_computation_lowered:
.L_overlay_start_0:
0x0: {  	s2 =	sld [smem:$0x3FD9]  }
0x1: {  	s3 =	sld [smem:$0x3FFE];
	_ =	sdelay $0x1  }
0x2: {  	s1 =	srdreg.scid  }
0x3: {  	s0 =	sand.u32 $0x1, s1  }
0x4: {  	s18 =	sshll.u32 s0, $0xA;
	s2 =	sadd.s32 s3, s2  }
0x5: {  	s2 =	sadd.s32 s2, s18  }
0x6: {  	[smem:$0x3FC6] =	sst s2  }
0x7: {  	_ = 	snop  }
0x8: {  	s2 =	sld [smem:$0x3FD0];
	(tm) =	ssettm $0x1  }
0x9: {  	s19 =	sld [smem:$0x3FFB];
	_ =	sdelay $0x3  }
0xa: {  	_ =	strace s19  }
0xb: {  	s3 =	sld [smem:$0x3FFC];
	_ =	sdelay $0x3  }
0xc: {  	_ =	strace s3  }
0xd: {  	s3 =	sld [smem:$0x3FFD];
	_ =	sdelay $0x3  }
0xe: {  	_ =	strace s3  }
0xf: {  	_ =	strace $0x8FFFFFFF  }
0x10: {  	s20 =	sld [smem:$0x3FDB];
	_ =	sdelay $0x1  }
0x11: {  	s4 =	simm.s32 $_scs_section_size  }
0x12: {  	s5 =	simm.s32 $_size__tile_overlayer_lowered;
	s6 =	simm.s32 $_tile_overlayer_lowered  }
0x13: {  	s23 =	simm.s32 $0x1BFF;
	s22 =	sshll.u32 s6, $0x1;
	s3 =	sadd.s32 s4, s20  }
0x14: {  	s7 =	simm.s32 $0x0;
	s21 =	sshll.u32 s5, $0x1;
	s5 =	sadd.s32 s22, s3  }
0x15: {  	[timem:s7], [sflag:s23] =	dma.local [hbm:s5], s21  }
0x16: {  	_ =	swait.ge [sflag:s23], s21  }
0x17: {  	s4 =	ssub.s32 $0x0, s21;
	[sflag:s23] =	ssyncset.done $0x0  }
0x18: {  	[sflag:s23] =	ssyncadd.s32 s4;
	_ =	sdelay $0x1  }
0x19: {  	s24 =	simm.s32 $0x1B8B  }
0x1a: {  	_ =	swait.ge [sflag:s24], $0x1  }
0x1b: {  	[sflag:s24] =	ssyncset.done $0x0  }
0x1c: {  	s26 =	simm.s32 $0x1B8E;
	s25 =	sld [smem:$0x3FFE];
	[sflag:s24] =	ssyncadd.s32 $0xFFFFFFFF  }
0x1d: {  	s27 =	simm.s32 $execute0_lowered;
	[smem:$0x3FD2] =	sst s26  }
0x1e: {  	s5 =	sshll.u32 s27, $0x1;
	_ =	strace $0x80000049;
	[dreg:$0x1] =	wrdreg $0xFFFFFFFF  }
0x1f: {  	s28 =	simm.s32 $_size_execute0_lowered;
	s3 =	sadd.s32 s3, s5;
	[dreg:$0x0] =	wrdreg $0x0  }
0x20: {  	s5 =	sshll.u32 s28, $0x1;
	[dreg:$0x2] =	wrdreg s3  }
0x21: {  	[dreg:$0x3] =	wrdreg s5  }
0x22: {  	[dreg:$0x4] =	wrdreg $0xC0  }
0x23: {  	_ =	task [dreg:s7], $0x5FFFF  }
0x24: {  	[dreg:$0x1] =	wrdreg $0xFFFFFFFF  }
0x25: {  	[dreg:$0x0] =	wrdreg $0x60  }
0x26: {  	[dreg:$0x2] =	wrdreg s25  }
0x27: {  	[dreg:$0x3] =	wrdreg s2  }
0x28: {  	[dreg:$0x4] =	wrdreg $0x9  }
0x29: {  	_ =	task.clear_ibuf [dreg:s7], $0x5FFFF;
	_ =	strace $0x90000049  }
0x2a: {  	s29 =	simm.s32 $0x9;
	_ =	strace $0x8000004B  }
0x2b: {  	_ =	swait.ge [sflag:s29], $0x1  }
0x2c: {  	[sflag:s29] =	ssyncadd.s32 $0xFFFFFFFF  }
0x2d: {  	_ =	strace $0x9000004B  }
0x2e: {  	_ =	sfence  }
0x2f: {  	s30 =	sld [smem:$0x0];
	_ =	sdelay $0x2  }
0x30: {  	s31 =	sshll.u32 s1, $0xD;
	s1 =	sshrl.u32 s1, $0x2  }
0x31: {  	s3 =	sand.u32 $0x4000, s31;
	s1 =	sadd.s32 s1, s30  }
0x32: {  	s0 =	sor.u32 s3, s0;
	s1 =	sshll.u32 s1, $0x11  }
0x33: {  	s0 =	sor.u32 s1, s0  }
0x34: {  	s0 =	sadd.s32 $0x8F2B, s0  }
0x35: {  	[sflag:s0] =	ssyncadd.remote.s32 $0x1  }
0x36: {  	_ =	sfence.sel $0xFFFF  }
0x37: {  	[dreg:$0x0] =	wrdreg $0xFFFFFFFF;
	(pc) =	sbr.abs _section_cstart, $3  }
0x38: {  	[dreg:$0x1] =	wrdreg $0xFFFFFFFF  }
0x39: {  	_ =	task.clear_ibuf [dreg:s7], $0x2FFFF;
	_ =	strace $0x9FFFFFFF  }
0x3a: {  	(tm) =	ssettm $0x7FFFFFFF  }
0x3b: {  	_ =	shalt  }
tec
execute0_lowered:
.L_overlay_start_1:
0x0: {  	(tag) =	ssettag $0x1  }
0x1: {  	s0 =	srdreg.scid  }
0x2: {  	s1 =	sshll.u32 s0, $0x4  }
0x3: {  	s0 =	stileid.u32;
	s1 =	sand.u32 $0x10, s1  }
0x4: {  	s1 =	sor.u32 s0, s1  }
0x5: {  	s6 =	rddreg [dreg:$0x0];
	s4 =	simm.s32 $0x1;
	s2 =	sshll.u32 s1, $0x7  }
0x6: {  	s7 =	simm.s32 $0x2;
	s12 =	simm.s32 $0x0;
	s1 =	ssub.s32 $0x1000, s2  }
0x7: {  	s8 =	simm.s32 $0x8000;
	s13 =	simm.s32 $0x0;
	s3 =	sand.u32 $0xF80, s1  }
0x8: {  	s9 =	simm.s32 $0x0;
	s5 =	sshrl.u32 s1, $0xC;
	p0 =	sne.s32 s3, $0x0  }
.Ltmp0:
0x9: {  	s1 =	rddreg [dreg:$0x2];
	s4 =	simm.s32 @!p0 $0x0;
	(pc) =	sbr.rel .LBB1_1-.Ltmp0, $4  }
0xa: {  	s11 =	simm.s32 $0x0;
	s3 =	rddreg [dreg:$0x1];
	s5 =	sadd.s32 s4, s5  }
0xb: {  	_ =	strace $0x8000004A;
	s4 =	simm.s32 $0x1;
	s5 =	smul.u32 $0xC8, s5  }
0xc: {  	s6 =	sadd.s32 $0xA00, s6;
	s10 =	smov.u32 s2;
	[sflag:s4] =	ssyncpa.u1 $0x0  }
0xd: {  	p0 =	por $0x0, $0x0;
	[sflag:s7] =	ssyncpa.u1 $0x0;
	s7 =	sor.u32 $0x1, s5  }
.LBB1_4:
0xe: {  	s16 =	sshll.u32 s13, $0x3;
	s17 =	sand.u32 $0x78, s13  }
0xf: {  	s30 =	sand.u32 $0x7E00, s13;
	s12 =	sshll.u32 s12, $0xF;
	s16 =	sand.u32 $0xC00, s16  }
0x10: {  	[tilespmem:s15+$0x810 ss:$0x81] =	vst.msk $0xffff, v2;
	s31 =	sand.u32 $0x7, s13;
	s16 =	sor.u32 s17, s16;
	s17 =	sadd.s32 s3, s30  }
0x11: {  	[tilespmem:s15+$0x1020 ss:$0x81] =	vst.msk $0xffff, v0;
	s13 =	sshll.u32 s31, $0x12;
	s12 =	sadd.s32 s12, s17;
	s16 =	sshrl.u32 s16, $0x3  }
0x12: {  	[tilespmem:s15+$0x0 ss:$0x81] =	vst.msk $0xffff, v1;
	s13 =	sor.u32 $0x400, s13;
	s12 =	sadd.s32 s16, s12  }
0x13: {  	[hbm4b:s12+s13] =	stream.strided.scatter [tilespmem:s14], [sflag:$0x2], $0x2000, s8, s13, $0x20;
	[tilespmem:$0x8080] =	vst v63  }
.LBB1_5:
0x14: {  	s14 =	sadd.s32 $0x1, s9  }
0x15: {  	s12 =	sadd.s32 $0x1000, s10;
	s16 =	smov.u32 s10;
	p2 =	sgt.s32 s14, $0xC7  }
0x16: {  	s16 =	smov.u32 @p2 s12  }
0x17: {  	s14 =	simm.s32 @p2 $0x0;
	p2 =	sgt.s32 s16, $0xFFF  }
0x18: {  	s16 =	smov.u32 @p2 s2;
	p2 =	sne.s32 s11, s7  }
.Ltmp1:
0x19: {  	p1 =	slt.u32 s11, $0x2;
	(pc) =	sbr.rel @!p2 .LBB1_6-.Ltmp1, $4  }
0x1a: {  	s15 =	simm.s32 @!p1 $0x2  }
0x1b: {  	s13 =	smov.u32 s10;
	p0 =	por !p0, !p0;
	_ =	swait.ge @!p1 [sflag:s15], $0x2000  }
0x1c: {  	s12 =	smov.u32 s9;
	[sflag:s15] =	ssyncset.done @!p1 $0x0;
	s9 =	smov.u32 s14  }
0x1d: {  	s11 =	sadd.s32 $0x1, s11;
	[sflag:s15] =	ssyncadd.s32 @!p1 $0xFFFFE000;
	s10 =	smov.u32 s16  }
.LBB1_1:
0x1e: {  	p1 =	sge.u32 s11, s5  }
0x1f: {  	s14 =	sand.u32 @!p1 $0x1FFFFFF, s9  }
0x20: {  	s15 =	smulhi.u32 @!p1 $0x147AE15, s14;
	_ =	sdelay $0x1  }
0x21: {  	s15 =	smul.u32 @!p1 $0xC8, s15  }
0x22: {  	s16 =	sxor.u32 @!p1 $0xFFFFFFFF, s11;
	s17 =	smul.u32 @!p1 $0xC80, s10  }
0x23: {  	s31 =	sadd.s32 $0xFFFFFFFF, s11;
	s16 =	sshll.u32 @!p1 s16, $0xD;
	s14 =	ssub.s32 @!p1 s14, s15  }
0x24: {  	s15 =	sand.u32 @!p1 $0x2000, s16;
	s16 =	sadd.s32 @!p1 s6, s17;
	s14 =	sshll.u32 @!p1 s14, $0x4  }
0x25: {  	s17 =	simm.s32 @!p1 $0x6400;
	s14 =	sadd.s32 @!p1 s14, s16;
	s16 =	simm.s32 @!p1 $0x40  }
0x26: {  	[tilespmem:s15], [sflag:$0x1] =	stream.strided.gather @!p1 [hbm4b:s14+s16], $0x2000, s17, s16, $0x38;
	[tilespmem:$0x8080] =	vst v63  }
0x27: {  	p1 =	sge.u32 s31, s5  }
.Ltmp2:
0x28: {  	_ = 	snop;
	(pc) =	sbr.rel @p1 .LBB1_5-.Ltmp2, $1  }
0x29: {  	_ =	sdelay $0x3  }
0x2a: {  	s14 =	simm.s32 $0x1  }
0x2b: {  	_ =	swait.ge [sflag:s4], $0x2000;
	s14 =	simm.s32 @!p0 $0x0  }
0x2c: {  	[sflag:s4] =	ssyncset.done $0x0;
	s15 =	sshll.u32 s14, $0xD  }
0x2d: {  	[sflag:s4] =	ssyncadd.s32 $0xFFFFE000;
	s18 =	sor.u32 $0x20, s15  }
0x2e: {  	s14 =	smul.u32 $0x8100, s14;
	v3 =	vld [tilespmem:s18+$0x10]  }
0x2f: {  	s30 =	sand.u32 $0x1, s11;
	v2 =	vld [tilespmem:s18+$0xFFFFFFF0]  }
0x30: {  	s15 =	smul.u32 $0x8100, s30;
	s14 =	sshrl.u32 s14, $0x2;
	v0 =	vld [tilespmem:s18+$0x0]  }
0x31: {  	v1 =	vld [tilespmem:s18+$0xFFFFFFE0];
	s16 =	sor.u32 $0x4000, s14  }
0x32: {  	s31 =	sshrl.u32 s15, $0x2;
	s15 =	sadd.s32 $0x0, s16  }
0x33: {  	s17 =	simm.s32 $0x4;
	s18 =	sadd.s32 $0x40, s18;
	s14 =	sor.u32 $0x4000, s31;
	[tilespmem:s15+$0x1830 ss:$0x81] =	vst.msk $0xffff, v3  }
.LBB1_3:
0x34: {  	v3 =	vld [tilespmem:s18+$0x10];
	p1 =	sne.s32 s17, $0x1FC;
	[tilespmem:s15+$0x810 ss:$0x81] =	vst.msk $0xffff, v2;
	s19 =	smov.u32 s17;
	s17 =	sadd.s32 $0x4, s17  }
.Ltmp3:
0x35: {  	v2 =	vld [tilespmem:s18+$0xFFFFFFF0];
	[tilespmem:s15+$0x1020 ss:$0x81] =	vst.msk $0xffff, v0;
	(pc) =	sbr.rel @p1 .LBB1_3-.Ltmp3, $4  }
0x36: {  	v0 =	vld [tilespmem:s18+$0x0];
	[tilespmem:s15+$0x0 ss:$0x81] =	vst.msk $0xffff, v1  }
0x37: {  	s15 =	sshra.s32 s19, $0x2;
	v1 =	vld [tilespmem:s18+$0xFFFFFFE0]  }
0x38: {  	s15 =	sadd.s32 s15, s16  }
0x39: {  	s18 =	sadd.s32 $0x40, s18;
	[tilespmem:s15+$0x1830 ss:$0x81] =	vst.msk $0xffff, v3  }
.Ltmp4:
0x3a: {  	_ = 	snop;
	(pc) =	sbr.rel .LBB1_4-.Ltmp4, $1  }
0x3b: {  	_ =	sdelay $0x3  }
.LBB1_6:
0x3c: {  	_ =	sfence.sel $0x180000  }
0x3d: {  	s2 =	simm.s32 $0x1;
	[bflag:$0x0] =	sbarrier.arrive $0xFFFF  }
0x3e: {  	s31 =	simm.s32 $0x2;
	[sflag:s2] =	ssyncpa.u1 $0x1  }
0x3f: {  	[sflag:s31] =	ssyncpa.u1 $0x1  }
0x40: {  	p0 =	sne.s32 s0, $0x0;
	_ =	strace $0x9000004A  }
0x41: {  	s0 =	sadd.s32 @!p0 $0x100000, s1;
	[bflag:$0x2] =	sbarrier.arrive $0xFFFF  }
0x42: {  	[sflag:s0] =	ssyncadd.tile.s32 @!p0 $0x1;
	_ =	shalt  }
.Lfunc_end1:
_tile_overlayer_lowered:
.L_overlay_start_2:
0x43: {  	(tag) =	ssettag $0x2  }
0x44: {  	s0 =	rddreg [dreg:$0x0];
	s2 =	stileid.u32  }
0x45: {  	s1 =	rddreg [dreg:$0x1];
	p0 =	sne.s32 s2, $0x0  }
0x46: {  	s3 =	rddreg [dreg:$0x2];
	[bflag:$0x3] =	sbarrier.arrive $0xFFFF;
	s2 =	simm.s32 @!p0 $0x1C01  }
0x47: {  	[timem:s3], [sflag:s2] =	dma.local @!p0 [hbm:s0], s1  }
0x48: {  	s0 =	simm.s32 @!p0 $0x1  }
0x49: {  	_ =	swait.ge @!p0 [sflag:s0], s1  }
0x4a: {  	s1 =	ssub.s32 @!p0 $0x0, s1;
	[sflag:s0] =	ssyncset.done @!p0 $0x0  }
0x4b: {  	[sflag:s0] =	ssyncadd.s32 @!p0 s1  }
0x4c: {  	[bflag:$0x3] =	sbarrier.arrive $0xFFFF  }
0x4d: {  	_ =	shalt  }

</sc_bundles>
